<compile_context>
chip_gen: v7x
topology: tpu7x:2x2x1
jax: 0.10.2.dev20260603
libtpu: 0.0.44.dev20260713+nightly
codegen_flags: <defaults>
</compile_context>

<pallas_src>
import functools

import jax
import jax.numpy as jnp
from jax.experimental import pallas as pl
from jax.experimental.pallas import tpu as pltpu


def _pick_block(e):
    for cand in (1024, 1000, 800, 640, 512, 400, 320, 256, 200, 160, 128, 64, 32, 16, 8):
        if e % cand == 0:
            return cand
    return e


def _lstm_body(ssrc_ref, sdst_ref, attr_ref, wgcn_ref, bgcn_ref, wsrc_ref,
               wdst_ref, wattr_ref, bias_ref, whh_ref, wlin_ref, blin_ref,
               out_ref, h_scr, c_scr, hs_scr, pi_scr, pf_scr, pg_scr, po_scr,
               *, be, lh):
    pid = pl.program_id(0)

    @pl.when(pid == 0)
    def _init():
        h_scr[...] = jnp.zeros_like(h_scr)
        c_scr[...] = jnp.zeros_like(c_scr)

    wgcn = wgcn_ref[...]
    bgcn = bgcn_ref[...]
    fs = jnp.maximum(ssrc_ref[...] * wgcn + bgcn, 0.0)
    fd = jnp.maximum(sdst_ref[...] * wgcn + bgcn, 0.0)
    attr = attr_ref[...]

    whh = whh_ref[...]
    whh_g = []
    gate_scrs = (pi_scr, pf_scr, pg_scr, po_scr)
    for g in range(4):
        sl = slice(g * lh, (g + 1) * lh)
        gate_scrs[g][...] = (
            jnp.dot(fs, wsrc_ref[:, sl], preferred_element_type=jnp.float32)
            + jnp.dot(fd, wdst_ref[:, sl], preferred_element_type=jnp.float32)
            + jnp.dot(attr, wattr_ref[:, sl],
                      preferred_element_type=jnp.float32)
            + bias_ref[:, sl])
        whh_g.append(whh[:, sl])

    def chunk(k, carry):
        h8, c = carry
        ri = pi_scr[pl.ds(k * 8, 8), :]
        rf = pf_scr[pl.ds(k * 8, 8), :]
        rg = pg_scr[pl.ds(k * 8, 8), :]
        ro = po_scr[pl.ds(k * 8, 8), :]
        for j in range(8):
            mi = jnp.dot(h8, whh_g[0], preferred_element_type=jnp.float32)
            mf = jnp.dot(h8, whh_g[1], preferred_element_type=jnp.float32)
            mg = jnp.dot(h8, whh_g[2], preferred_element_type=jnp.float32)
            mo = jnp.dot(h8, whh_g[3], preferred_element_type=jnp.float32)
            iact = 0.5 * jnp.tanh(0.5 * (ri[j:j + 1, :] + mi[0:1, :])) + 0.5
            fact = 0.5 * jnp.tanh(0.5 * (rf[j:j + 1, :] + mf[0:1, :])) + 0.5
            gact = jnp.tanh(rg[j:j + 1, :] + mg[0:1, :])
            oact = 0.5 * jnp.tanh(0.5 * (ro[j:j + 1, :] + mo[0:1, :])) + 0.5
            c = fact * c + iact * gact
            hrow = oact * jnp.tanh(c)
            hs_scr[pl.ds(k * 8 + j, 1), :] = hrow
            h8 = jnp.broadcast_to(hrow, (8, lh))
        return (h8, c)

    h80 = jnp.broadcast_to(h_scr[...], (8, lh))
    h8N, cN = jax.lax.fori_loop(0, be // 8, chunk, (h80, c_scr[...]))
    h_scr[...] = h8N[0:1, :]
    c_scr[...] = cN
    out_ref[...] = jnp.dot(hs_scr[...], wlin_ref[...],
                           preferred_element_type=jnp.float32) + blin_ref[...]


def _edge_lstm(s_src, s_dst, attr_p, W_gcn, b_gcn, Wsrc_T, Wdst_T, Wattr_T,
               bias, Whh_T, Wlin_T, blin):
    e = s_src.shape[0]
    h = W_gcn.shape[1]
    lh = Whh_T.shape[0]
    g4 = 4 * lh
    ap = attr_p.shape[1]
    be = _pick_block(e)
    nb = e // be

    body = functools.partial(_lstm_body, be=be, lh=lh)
    out = pl.pallas_call(
        body,
        grid=(nb,),
        in_specs=[
            pl.BlockSpec((be, 1), lambda i: (i, 0)),
            pl.BlockSpec((be, 1), lambda i: (i, 0)),
            pl.BlockSpec((be, ap), lambda i: (i, 0)),
            pl.BlockSpec((1, h), lambda i: (0, 0)),
            pl.BlockSpec((1, h), lambda i: (0, 0)),
            pl.BlockSpec((h, g4), lambda i: (0, 0)),
            pl.BlockSpec((h, g4), lambda i: (0, 0)),
            pl.BlockSpec((ap, g4), lambda i: (0, 0)),
            pl.BlockSpec((1, g4), lambda i: (0, 0)),
            pl.BlockSpec((lh, g4), lambda i: (0, 0)),
            pl.BlockSpec((lh, 1), lambda i: (0, 0)),
            pl.BlockSpec((1, 1), lambda i: (0, 0)),
        ],
        out_specs=pl.BlockSpec((be, 1), lambda i: (i, 0)),
        out_shape=jax.ShapeDtypeStruct((e, 1), jnp.float32),
        scratch_shapes=[
            pltpu.VMEM((1, lh), jnp.float32),
            pltpu.VMEM((1, lh), jnp.float32),
            pltpu.VMEM((be, lh), jnp.float32),
            pltpu.VMEM((be, lh), jnp.float32),
            pltpu.VMEM((be, lh), jnp.float32),
            pltpu.VMEM((be, lh), jnp.float32),
            pltpu.VMEM((be, lh), jnp.float32),
        ],
    )(s_src, s_dst, attr_p, W_gcn, b_gcn, Wsrc_T, Wdst_T, Wattr_T, bias,
      Whh_T, Wlin_T, blin)
    return out


def kernel(x, edge_index, edge_attr, W_gcn, b_gcn, W_ih, W_hh, b_ih, b_hh,
           W_lin, b_lin):
    n = x.shape[0]
    e = edge_index.shape[1]
    h = W_gcn.shape[1]
    lh = W_hh.shape[1]
    a = edge_attr.shape[1]

    src = edge_index[0]
    dst = edge_index[1]

    xs = x[:, 0]
    deg = jnp.zeros((n,), jnp.float32).at[dst].add(1.0) + 1.0
    dinv = jax.lax.rsqrt(deg)
    av = xs * dinv
    spart = jnp.zeros((n,), jnp.float32).at[dst].add(av[src])
    s = dinv * spart + xs * dinv * dinv
    s_src = s[src][:, None]
    s_dst = s[dst][:, None]

    attr_p = jnp.pad(edge_attr, ((0, 0), (0, 8 - a)))
    Wsrc_T = W_ih[:, :h].T
    Wdst_T = W_ih[:, h:2 * h].T
    Wattr_T = jnp.pad(W_ih[:, 2 * h:].T, ((0, 8 - a), (0, 0)))
    bias = (b_ih + b_hh)[None, :]
    Whh_T = W_hh.T
    Wlin_T = W_lin.T
    blin = b_lin[None, :]

    out = _edge_lstm(s_src, s_dst, attr_p, W_gcn, b_gcn[None, :], Wsrc_T,
                     Wdst_T, Wattr_T, bias, Whh_T, Wlin_T, blin)
    return out.reshape(-1)

# --- scband reference (transcript-rebuilt; emitter-appended) ---
"""Pipeline reference for scband-edge-gcn-lstm-8650064134829 (READ-ONLY COPY).

The authoritative reference and input builder live on the scoring server;
editing this copy changes nothing except your own understanding.
"""

import jax, jax.numpy as jnp
import numpy as np

N = 10000
E = 160000
H = 64
LH = 64
OUT = 1
IN_LSTM = H * 2 + 3


def setup_inputs(seed: int = 0):
    key = jax.random.key(seed)
    ks = jax.random.split(key, 10)
    x = jax.random.normal(ks[0], (N, 1), dtype=jnp.float32)
    edge_index = jax.random.randint(ks[1], (2, E), 0, N, dtype=jnp.int32)
    edge_attr = jax.random.normal(ks[2], (E, 3), dtype=jnp.float32)
    W_gcn = jax.random.uniform(ks[3], (1, H), jnp.float32, -1.0, 1.0)
    b_gcn = jnp.zeros((H,), jnp.float32)
    sl = 1.0 / np.sqrt(LH)
    W_ih = jax.random.uniform(ks[4], (4 * LH, IN_LSTM), jnp.float32, -sl, sl)
    W_hh = jax.random.uniform(ks[5], (4 * LH, LH), jnp.float32, -sl, sl)
    b_ih = jax.random.uniform(ks[6], (4 * LH,), jnp.float32, -sl, sl)
    b_hh = jax.random.uniform(ks[7], (4 * LH,), jnp.float32, -sl, sl)
    W_lin = jax.random.uniform(ks[8], (OUT, LH), jnp.float32, -sl, sl)
    b_lin = jax.random.uniform(ks[9], (OUT,), jnp.float32, -sl, sl)
    return {"x": x, "edge_index": edge_index, "edge_attr": edge_attr,
            "W_gcn": W_gcn, "b_gcn": b_gcn, "W_ih": W_ih, "W_hh": W_hh,
            "b_ih": b_ih, "b_hh": b_hh, "W_lin": W_lin, "b_lin": b_lin}


def reference(x, edge_index, edge_attr, W_gcn, b_gcn, W_ih, W_hh, b_ih, b_hh, W_lin, b_lin):
    # GCNConv with self-loops and symmetric normalization (PyG default)
    loops = jnp.arange(N, dtype=edge_index.dtype)
    src = jnp.concatenate([edge_index[0], loops])
    dst = jnp.concatenate([edge_index[1], loops])
    deg = jnp.zeros((N,), jnp.float32).at[dst].add(1.0)
    dinv = jnp.where(deg > 0, 1.0 / jnp.sqrt(deg), 0.0)
    norm = dinv[src] * dinv[dst]
    xw = x @ W_gcn  # [N, H]
    agg = jnp.zeros((N, H), jnp.float32).at[dst].add(xw[src] * norm[:, None])
    h = jax.nn.relu(agg + b_gcn)
    # dropout is identity in eval mode
    sender_features = h[edge_index[0]]
    receiver_features = h[edge_index[1]]
    edge_features = jnp.concatenate([sender_features, receiver_features, edge_attr], axis=1)  # [E, IN_LSTM]

    def step(carry, xt):
        hprev, cprev = carry
        gates = W_ih @ xt + W_hh @ hprev + b_ih + b_hh
        i, f, g, o = jnp.split(gates, 4)
        i = jax.nn.sigmoid(i)
        f = jax.nn.sigmoid(f)
        g = jnp.tanh(g)
        o = jax.nn.sigmoid(o)
        c = f * cprev + i * g
        hn = o * jnp.tanh(c)
        return (hn, c), hn

    init = (jnp.zeros((LH,), jnp.float32), jnp.zeros((LH,), jnp.float32))
    _, hs = jax.lax.scan(step, init, edge_features)  # [E, LH]
    out = hs @ W_lin.T + b_lin  # [E, 1]
    return out.reshape(-1)

if __name__ == "__main__":
    import jax
    _d = setup_inputs()
    print(jax.jit(kernel)(*tuple(_d.values())))

</pallas_src>

<mosaic_0001>
module attributes {stable_mosaic.version = 14 : i64} {
  func.func @_lstm_body(%arg0: i32, %arg1: memref<1000x1xf32, #tpu.memory_space<vmem>>, %arg2: memref<1000x1xf32, #tpu.memory_space<vmem>>, %arg3: memref<1000x8xf32, #tpu.memory_space<vmem>>, %arg4: memref<1x64xf32, #tpu.memory_space<vmem>>, %arg5: memref<1x64xf32, #tpu.memory_space<vmem>>, %arg6: memref<64x256xf32, #tpu.memory_space<vmem>>, %arg7: memref<64x256xf32, #tpu.memory_space<vmem>>, %arg8: memref<8x256xf32, #tpu.memory_space<vmem>>, %arg9: memref<1x256xf32, #tpu.memory_space<vmem>>, %arg10: memref<64x256xf32, #tpu.memory_space<vmem>>, %arg11: memref<64x1xf32, #tpu.memory_space<vmem>>, %arg12: memref<1x1xf32, #tpu.memory_space<vmem>>, %arg13: memref<1000x1xf32, #tpu.memory_space<vmem>>, %arg14: memref<1x64xf32, #tpu.memory_space<vmem>>, %arg15: memref<1x64xf32, #tpu.memory_space<vmem>>, %arg16: memref<1000x64xf32, #tpu.memory_space<vmem>>, %arg17: memref<1000x64xf32, #tpu.memory_space<vmem>>, %arg18: memref<1000x64xf32, #tpu.memory_space<vmem>>, %arg19: memref<1000x64xf32, #tpu.memory_space<vmem>>, %arg20: memref<1000x64xf32, #tpu.memory_space<vmem>>) attributes {dimension_semantics = [#tpu.dimension_semantics<arbitrary>], iteration_bounds = array<i64: 160>, scalar_prefetch = 0 : i64, scratch_operands = 7 : i64, tpu.core_type = #tpu.core_type<tc>, window_params = [{transform_indices = @transform_0, window_bounds = array<i64: 1000, 1>}, {transform_indices = @transform_1, window_bounds = array<i64: 1000, 1>}, {transform_indices = @transform_2, window_bounds = array<i64: 1000, 8>}, {pipeline_mode = #tpu.pipeline_mode<synchronous>, transform_indices = @transform_3, window_bounds = array<i64: 1, 64>}, {pipeline_mode = #tpu.pipeline_mode<synchronous>, transform_indices = @transform_4, window_bounds = array<i64: 1, 64>}, {pipeline_mode = #tpu.pipeline_mode<synchronous>, transform_indices = @transform_5, window_bounds = array<i64: 64, 256>}, {pipeline_mode = #tpu.pipeline_mode<synchronous>, transform_indices = @transform_6, window_bounds = array<i64: 64, 256>}, {pipeline_mode = #tpu.pipeline_mode<synchronous>, transform_indices = @transform_7, window_bounds = array<i64: 8, 256>}, {pipeline_mode = #tpu.pipeline_mode<synchronous>, transform_indices = @transform_8, window_bounds = array<i64: 1, 256>}, {pipeline_mode = #tpu.pipeline_mode<synchronous>, transform_indices = @transform_9, window_bounds = array<i64: 64, 256>}, {pipeline_mode = #tpu.pipeline_mode<synchronous>, transform_indices = @transform_10, window_bounds = array<i64: 64, 1>}, {pipeline_mode = #tpu.pipeline_mode<synchronous>, transform_indices = @transform_11, window_bounds = array<i64: 1, 1>}, {transform_indices = @transform_12, window_bounds = array<i64: 1000, 1>}]} {
    %eq3A = arith.constant 0 : i32
    %eq3A_0 = arith.cmpi eq, %arg0, %eq3A : i32
    %convert_element_type3A = arith.extui %eq3A_0 : i1 to i32
    %cond3A = arith.constant 0 : i32
    %cond3A_1 = arith.cmpi ne, %convert_element_type3A, %cond3A : i32
    scf.if %cond3A_1 {
      %broadcast_in_dim3A_168 = arith.constant 0.000000e+00 : f32
      %broadcast_in_dim3A_169 = vector.broadcast %broadcast_in_dim3A_168 : f32 to vector<1x64xf32>
      %swap3A_170 = arith.constant 0 : index
      %swap3A_171 = arith.constant 0 : index
      %swap3A_172 = vector.load %arg14[%swap3A_170, %swap3A_171] : memref<1x64xf32, #tpu.memory_space<vmem>>, vector<1x64xf32>
      tpu.vector_store %arg14[%swap3A_170, %swap3A_171], %broadcast_in_dim3A_169 {strides = array<i32>} : memref<1x64xf32, #tpu.memory_space<vmem>>, vector<1x64xf32>,
      %broadcast_in_dim3A_173 = arith.constant 0.000000e+00 : f32
      %broadcast_in_dim3A_174 = vector.broadcast %broadcast_in_dim3A_173 : f32 to vector<1x64xf32>
      %swap3A_175 = arith.constant 0 : index
      %swap3A_176 = arith.constant 0 : index
      %swap3A_177 = vector.load %arg15[%swap3A_175, %swap3A_176] : memref<1x64xf32, #tpu.memory_space<vmem>>, vector<1x64xf32>
      tpu.vector_store %arg15[%swap3A_175, %swap3A_176], %broadcast_in_dim3A_174 {strides = array<i32>} : memref<1x64xf32, #tpu.memory_space<vmem>>, vector<1x64xf32>,
    } else {
    }
    %get3A = arith.constant 0 : index
    %get3A_2 = arith.constant 0 : index
    %get3A_3 = vector.load %arg4[%get3A, %get3A_2] : memref<1x64xf32, #tpu.memory_space<vmem>>, vector<1x64xf32>
    %get3A_4 = arith.constant 0 : index
    %get3A_5 = arith.constant 0 : index
    %get3A_6 = vector.load %arg5[%get3A_4, %get3A_5] : memref<1x64xf32, #tpu.memory_space<vmem>>, vector<1x64xf32>
    %get3A_7 = arith.constant 0 : index
    %get3A_8 = arith.constant 0 : index
    %get3A_9 = vector.load %arg1[%get3A_7, %get3A_8] : memref<1000x1xf32, #tpu.memory_space<vmem>>, vector<1000x1xf32>
    %mul3A = vector.broadcast %get3A_9 : vector<1000x1xf32> to vector<1000x64xf32>
    %mul3A_10 = vector.broadcast %get3A_3 : vector<1x64xf32> to vector<1000x64xf32>
    %mul3A_11 = arith.mulf %mul3A, %mul3A_10 : vector<1000x64xf32>
    %add3A = vector.broadcast %get3A_6 : vector<1x64xf32> to vector<1000x64xf32>
    %add3A_12 = arith.addf %mul3A_11, %add3A : vector<1000x64xf32>
    %max3A = arith.constant 0.000000e+00 : f32
    %max3A_13 = vector.broadcast %max3A : f32 to vector<1000x64xf32>
    %max3A_14 = arith.maximumf %add3A_12, %max3A_13 : vector<1000x64xf32>
    %get3A_15 = arith.constant 0 : index
    %get3A_16 = arith.constant 0 : index
    %get3A_17 = vector.load %arg2[%get3A_15, %get3A_16] : memref<1000x1xf32, #tpu.memory_space<vmem>>, vector<1000x1xf32>
    %mul3A_18 = vector.broadcast %get3A_17 : vector<1000x1xf32> to vector<1000x64xf32>
    %mul3A_19 = vector.broadcast %get3A_3 : vector<1x64xf32> to vector<1000x64xf32>
    %mul3A_20 = arith.mulf %mul3A_18, %mul3A_19 : vector<1000x64xf32>
    %add3A_21 = vector.broadcast %get3A_6 : vector<1x64xf32> to vector<1000x64xf32>
    %add3A_22 = arith.addf %mul3A_20, %add3A_21 : vector<1000x64xf32>
    %max3A_23 = arith.constant 0.000000e+00 : f32
    %max3A_24 = vector.broadcast %max3A_23 : f32 to vector<1000x64xf32>
    %max3A_25 = arith.maximumf %add3A_22, %max3A_24 : vector<1000x64xf32>
    %get3A_26 = arith.constant 0 : index
    %get3A_27 = arith.constant 0 : index
    %get3A_28 = vector.load %arg3[%get3A_26, %get3A_27] : memref<1000x8xf32, #tpu.memory_space<vmem>>, vector<1000x8xf32>
    %get3A_29 = arith.constant 0 : index
    %get3A_30 = arith.constant 0 : index
    %get3A_31 = vector.load %arg10[%get3A_29, %get3A_30] : memref<64x256xf32, #tpu.memory_space<vmem>>, vector<64x256xf32>
    %get3A_32 = arith.constant 0 : index
    %get3A_33 = arith.constant 0 : index
    %get3A_34 = vector.load %arg6[%get3A_32, %get3A_33] : memref<64x256xf32, #tpu.memory_space<vmem>>, vector<64x64xf32>
    %dot_general3A = arith.constant dense<0.000000e+00> : vector<1000x64xf32>
    %dot_general3A_35 = tpu.matmul %max3A_14, %get3A_34, %dot_general3A {dimension_numbers = #tpu.dot_dimension_numbers<[1], [0], [0], [1], [0, 0, 1, 1], [], []>, transpose_lhs_hint = false} : vector<1000x64xf32>, vector<64x64xf32>, vector<1000x64xf32> -> vector<1000x64xf32>
    %get3A_36 = arith.constant 0 : index
    %get3A_37 = arith.constant 0 : index
    %get3A_38 = vector.load %arg7[%get3A_36, %get3A_37] : memref<64x256xf32, #tpu.memory_space<vmem>>, vector<64x64xf32>
    %dot_general3A_39 = arith.constant dense<0.000000e+00> : vector<1000x64xf32>
    %dot_general3A_40 = tpu.matmul %max3A_25, %get3A_38, %dot_general3A_39 {dimension_numbers = #tpu.dot_dimension_numbers<[1], [0], [0], [1], [0, 0, 1, 1], [], []>, transpose_lhs_hint = false} : vector<1000x64xf32>, vector<64x64xf32>, vector<1000x64xf32> -> vector<1000x64xf32>
    %add3A_41 = arith.addf %dot_general3A_35, %dot_general3A_40 : vector<1000x64xf32>
    %get3A_42 = arith.constant 0 : index
    %get3A_43 = arith.constant 0 : index
    %get3A_44 = vector.load %arg8[%get3A_42, %get3A_43] : memref<8x256xf32, #tpu.memory_space<vmem>>, vector<8x64xf32>
    %dot_general3A_45 = arith.constant dense<0.000000e+00> : vector<1000x64xf32>
    %dot_general3A_46 = tpu.matmul %get3A_28, %get3A_44, %dot_general3A_45 {dimension_numbers = #tpu.dot_dimension_numbers<[1], [0], [0], [1], [0, 0, 1, 1], [], []>, transpose_lhs_hint = false} : vector<1000x8xf32>, vector<8x64xf32>, vector<1000x64xf32> -> vector<1000x64xf32>
    %add3A_47 = arith.addf %add3A_41, %dot_general3A_46 : vector<1000x64xf32>
    %get3A_48 = arith.constant 0 : index
    %get3A_49 = arith.constant 0 : index
    %get3A_50 = vector.load %arg9[%get3A_48, %get3A_49] : memref<1x256xf32, #tpu.memory_space<vmem>>, vector<1x64xf32>
    %add3A_51 = vector.broadcast %get3A_50 : vector<1x64xf32> to vector<1000x64xf32>
    %add3A_52 = arith.addf %add3A_47, %add3A_51 : vector<1000x64xf32>
    %swap3A = arith.constant 0 : index
    %swap3A_53 = arith.constant 0 : index
    %swap3A_54 = vector.load %arg17[%swap3A, %swap3A_53] : memref<1000x64xf32, #tpu.memory_space<vmem>>, vector<1000x64xf32>
    tpu.vector_store %arg17[%swap3A, %swap3A_53], %add3A_52 {strides = array<i32>} : memref<1000x64xf32, #tpu.memory_space<vmem>>, vector<1000x64xf32>,
    %slice3A = vector.extract_strided_slice %get3A_31 {offsets = [0, 0], sizes = [64, 64], strides = [1, 1]} : vector<64x256xf32> to vector<64x64xf32>
    %get3A_55 = arith.constant 0 : index
    %get3A_56 = arith.constant 64 : index
    %get3A_57 = vector.load %arg6[%get3A_55, %get3A_56] : memref<64x256xf32, #tpu.memory_space<vmem>>, vector<64x64xf32>
    %dot_general3A_58 = arith.constant dense<0.000000e+00> : vector<1000x64xf32>
    %dot_general3A_59 = tpu.matmul %max3A_14, %get3A_57, %dot_general3A_58 {dimension_numbers = #tpu.dot_dimension_numbers<[1], [0], [0], [1], [0, 0, 1, 1], [], []>, transpose_lhs_hint = false} : vector<1000x64xf32>, vector<64x64xf32>, vector<1000x64xf32> -> vector<1000x64xf32>
    %get3A_60 = arith.constant 0 : index
    %get3A_61 = arith.constant 64 : index
    %get3A_62 = vector.load %arg7[%get3A_60, %get3A_61] : memref<64x256xf32, #tpu.memory_space<vmem>>, vector<64x64xf32>
    %dot_general3A_63 = arith.constant dense<0.000000e+00> : vector<1000x64xf32>
    %dot_general3A_64 = tpu.matmul %max3A_25, %get3A_62, %dot_general3A_63 {dimension_numbers = #tpu.dot_dimension_numbers<[1], [0], [0], [1], [0, 0, 1, 1], [], []>, transpose_lhs_hint = false} : vector<1000x64xf32>, vector<64x64xf32>, vector<1000x64xf32> -> vector<1000x64xf32>
    %add3A_65 = arith.addf %dot_general3A_59, %dot_general3A_64 : vector<1000x64xf32>
    %get3A_66 = arith.constant 0 : index
    %get3A_67 = arith.constant 64 : index
    %get3A_68 = vector.load %arg8[%get3A_66, %get3A_67] : memref<8x256xf32, #tpu.memory_space<vmem>>, vector<8x64xf32>
    %dot_general3A_69 = arith.constant dense<0.000000e+00> : vector<1000x64xf32>
    %dot_general3A_70 = tpu.matmul %get3A_28, %get3A_68, %dot_general3A_69 {dimension_numbers = #tpu.dot_dimension_numbers<[1], [0], [0], [1], [0, 0, 1, 1], [], []>, transpose_lhs_hint = false} : vector<1000x8xf32>, vector<8x64xf32>, vector<1000x64xf32> -> vector<1000x64xf32>
    %add3A_71 = arith.addf %add3A_65, %dot_general3A_70 : vector<1000x64xf32>
    %get3A_72 = arith.constant 0 : index
    %get3A_73 = arith.constant 64 : index
    %get3A_74 = vector.load %arg9[%get3A_72, %get3A_73] : memref<1x256xf32, #tpu.memory_space<vmem>>, vector<1x64xf32>
    %add3A_75 = vector.broadcast %get3A_74 : vector<1x64xf32> to vector<1000x64xf32>
    %add3A_76 = arith.addf %add3A_71, %add3A_75 : vector<1000x64xf32>
    %swap3A_77 = arith.constant 0 : index
    %swap3A_78 = arith.constant 0 : index
    %swap3A_79 = vector.load %arg18[%swap3A_77, %swap3A_78] : memref<1000x64xf32, #tpu.memory_space<vmem>>, vector<1000x64xf32>
    tpu.vector_store %arg18[%swap3A_77, %swap3A_78], %add3A_76 {strides = array<i32>} : memref<1000x64xf32, #tpu.memory_space<vmem>>, vector<1000x64xf32>,
    %slice3A_80 = vector.extract_strided_slice %get3A_31 {offsets = [0, 64], sizes = [64, 64], strides = [1, 1]} : vector<64x256xf32> to vector<64x64xf32>
    %get3A_81 = arith.constant 0 : index
    %get3A_82 = arith.constant 128 : index
    %get3A_83 = vector.load %arg6[%get3A_81, %get3A_82] : memref<64x256xf32, #tpu.memory_space<vmem>>, vector<64x64xf32>
    %dot_general3A_84 = arith.constant dense<0.000000e+00> : vector<1000x64xf32>
    %dot_general3A_85 = tpu.matmul %max3A_14, %get3A_83, %dot_general3A_84 {dimension_numbers = #tpu.dot_dimension_numbers<[1], [0], [0], [1], [0, 0, 1, 1], [], []>, transpose_lhs_hint = false} : vector<1000x64xf32>, vector<64x64xf32>, vector<1000x64xf32> -> vector<1000x64xf32>
    %get3A_86 = arith.constant 0 : index
    %get3A_87 = arith.constant 128 : index
    %get3A_88 = vector.load %arg7[%get3A_86, %get3A_87] : memref<64x256xf32, #tpu.memory_space<vmem>>, vector<64x64xf32>
    %dot_general3A_89 = arith.constant dense<0.000000e+00> : vector<1000x64xf32>
    %dot_general3A_90 = tpu.matmul %max3A_25, %get3A_88, %dot_general3A_89 {dimension_numbers = #tpu.dot_dimension_numbers<[1], [0], [0], [1], [0, 0, 1, 1], [], []>, transpose_lhs_hint = false} : vector<1000x64xf32>, vector<64x64xf32>, vector<1000x64xf32> -> vector<1000x64xf32>
    %add3A_91 = arith.addf %dot_general3A_85, %dot_general3A_90 : vector<1000x64xf32>
    %get3A_92 = arith.constant 0 : index
    %get3A_93 = arith.constant 128 : index
    %get3A_94 = vector.load %arg8[%get3A_92, %get3A_93] : memref<8x256xf32, #tpu.memory_space<vmem>>, vector<8x64xf32>
    %dot_general3A_95 = arith.constant dense<0.000000e+00> : vector<1000x64xf32>
    %dot_general3A_96 = tpu.matmul %get3A_28, %get3A_94, %dot_general3A_95 {dimension_numbers = #tpu.dot_dimension_numbers<[1], [0], [0], [1], [0, 0, 1, 1], [], []>, transpose_lhs_hint = false} : vector<1000x8xf32>, vector<8x64xf32>, vector<1000x64xf32> -> vector<1000x64xf32>
    %add3A_97 = arith.addf %add3A_91, %dot_general3A_96 : vector<1000x64xf32>
    %get3A_98 = arith.constant 0 : index
    %get3A_99 = arith.constant 128 : index
    %get3A_100 = vector.load %arg9[%get3A_98, %get3A_99] : memref<1x256xf32, #tpu.memory_space<vmem>>, vector<1x64xf32>
    %add3A_101 = vector.broadcast %get3A_100 : vector<1x64xf32> to vector<1000x64xf32>
    %add3A_102 = arith.addf %add3A_97, %add3A_101 : vector<1000x64xf32>
    %swap3A_103 = arith.constant 0 : index
    %swap3A_104 = arith.constant 0 : index
    %swap3A_105 = vector.load %arg19[%swap3A_103, %swap3A_104] : memref<1000x64xf32, #tpu.memory_space<vmem>>, vector<1000x64xf32>
    tpu.vector_store %arg19[%swap3A_103, %swap3A_104], %add3A_102 {strides = array<i32>} : memref<1000x64xf32, #tpu.memory_space<vmem>>, vector<1000x64xf32>,
    %slice3A_106 = vector.extract_strided_slice %get3A_31 {offsets = [0, 128], sizes = [64, 64], strides = [1, 1]} : vector<64x256xf32> to vector<64x64xf32>
    %get3A_107 = arith.constant 0 : index
    %get3A_108 = arith.constant 192 : index
    %get3A_109 = vector.load %arg6[%get3A_107, %get3A_108] : memref<64x256xf32, #tpu.memory_space<vmem>>, vector<64x64xf32>
    %dot_general3A_110 = arith.constant dense<0.000000e+00> : vector<1000x64xf32>
    %dot_general3A_111 = tpu.matmul %max3A_14, %get3A_109, %dot_general3A_110 {dimension_numbers = #tpu.dot_dimension_numbers<[1], [0], [0], [1], [0, 0, 1, 1], [], []>, transpose_lhs_hint = false} : vector<1000x64xf32>, vector<64x64xf32>, vector<1000x64xf32> -> vector<1000x64xf32>
    %get3A_112 = arith.constant 0 : index
    %get3A_113 = arith.constant 192 : index
    %get3A_114 = vector.load %arg7[%get3A_112, %get3A_113] : memref<64x256xf32, #tpu.memory_space<vmem>>, vector<64x64xf32>
    %dot_general3A_115 = arith.constant dense<0.000000e+00> : vector<1000x64xf32>
    %dot_general3A_116 = tpu.matmul %max3A_25, %get3A_114, %dot_general3A_115 {dimension_numbers = #tpu.dot_dimension_numbers<[1], [0], [0], [1], [0, 0, 1, 1], [], []>, transpose_lhs_hint = false} : vector<1000x64xf32>, vector<64x64xf32>, vector<1000x64xf32> -> vector<1000x64xf32>
    %add3A_117 = arith.addf %dot_general3A_111, %dot_general3A_116 : vector<1000x64xf32>
    %get3A_118 = arith.constant 0 : index
    %get3A_119 = arith.constant 192 : index
    %get3A_120 = vector.load %arg8[%get3A_118, %get3A_119] : memref<8x256xf32, #tpu.memory_space<vmem>>, vector<8x64xf32>
    %dot_general3A_121 = arith.constant dense<0.000000e+00> : vector<1000x64xf32>
    %dot_general3A_122 = tpu.matmul %get3A_28, %get3A_120, %dot_general3A_121 {dimension_numbers = #tpu.dot_dimension_numbers<[1], [0], [0], [1], [0, 0, 1, 1], [], []>, transpose_lhs_hint = false} : vector<1000x8xf32>, vector<8x64xf32>, vector<1000x64xf32> -> vector<1000x64xf32>
    %add3A_123 = arith.addf %add3A_117, %dot_general3A_122 : vector<1000x64xf32>
    %get3A_124 = arith.constant 0 : index
    %get3A_125 = arith.constant 192 : index
    %get3A_126 = vector.load %arg9[%get3A_124, %get3A_125] : memref<1x256xf32, #tpu.memory_space<vmem>>, vector<1x64xf32>
    %add3A_127 = vector.broadcast %get3A_126 : vector<1x64xf32> to vector<1000x64xf32>
    %add3A_128 = arith.addf %add3A_123, %add3A_127 : vector<1000x64xf32>
    %swap3A_129 = arith.constant 0 : index
    %swap3A_130 = arith.constant 0 : index
    %swap3A_131 = vector.load %arg20[%swap3A_129, %swap3A_130] : memref<1000x64xf32, #tpu.memory_space<vmem>>, vector<1000x64xf32>
    tpu.vector_store %arg20[%swap3A_129, %swap3A_130], %add3A_128 {strides = array<i32>} : memref<1000x64xf32, #tpu.memory_space<vmem>>, vector<1000x64xf32>,
    %slice3A_132 = vector.extract_strided_slice %get3A_31 {offsets = [0, 192], sizes = [64, 64], strides = [1, 1]} : vector<64x256xf32> to vector<64x64xf32>
    %get3A_133 = arith.constant 0 : index
    %get3A_134 = arith.constant 0 : index
    %get3A_135 = vector.load %arg14[%get3A_133, %get3A_134] : memref<1x64xf32, #tpu.memory_space<vmem>>, vector<1x64xf32>
    %broadcast_in_dim3A = vector.shape_cast %get3A_135 : vector<1x64xf32> to vector<1x64xf32>
    %broadcast_in_dim3A_136 = vector.broadcast %broadcast_in_dim3A : vector<1x64xf32> to vector<8x64xf32>
    %get3A_137 = arith.constant 0 : index
    %get3A_138 = arith.constant 0 : index
    %get3A_139 = vector.load %arg15[%get3A_137, %get3A_138] : memref<1x64xf32, #tpu.memory_space<vmem>>, vector<1x64xf32>
    %scan3A = arith.constant 0 : i32
    %scan3A_140 = arith.constant 125 : i32
    %scan3A_141 = arith.addi %scan3A, %scan3A_140 : i32
    %scan3A_142 = arith.constant 1 : i32
    %scan3A_143:2 = scf.for %scan3A_168 = %scan3A to %scan3A_141 step %scan3A_142 iter_args(%scan3A_169 = %broadcast_in_dim3A_136, %scan3A_170 = %get3A_139) -> (vector<8x64xf32>, vector<1x64xf32>)  : i32 {
      %mul3A_171 = arith.constant 8 : i32
      %mul3A_172 = arith.muli %scan3A_168, %mul3A_171 : i32
      %get3A_173 = arith.index_cast %mul3A_172 : i32 to index
      %get3A_174 = arith.constant 0 : index
      %get3A_175 = vector.load %arg17[%get3A_173, %get3A_174] : memref<1000x64xf32, #tpu.memory_space<vmem>>, vector<8x64xf32>
      %mul3A_176 = arith.constant 8 : i32
      %mul3A_177 = arith.muli %scan3A_168, %mul3A_176 : i32
      %get3A_178 = arith.index_cast %mul3A_177 : i32 to index
      %get3A_179 = arith.constant 0 : index
      %get3A_180 = vector.load %arg18[%get3A_178, %get3A_179] : memref<1000x64xf32, #tpu.memory_space<vmem>>, vector<8x64xf32>
      %mul3A_181 = arith.constant 8 : i32
      %mul3A_182 = arith.muli %scan3A_168, %mul3A_181 : i32
      %get3A_183 = arith.index_cast %mul3A_182 : i32 to index
      %get3A_184 = arith.constant 0 : index
      %get3A_185 = vector.load %arg19[%get3A_183, %get3A_184] : memref<1000x64xf32, #tpu.memory_space<vmem>>, vector<8x64xf32>
      %mul3A_186 = arith.constant 8 : i32
      %mul3A_187 = arith.muli %scan3A_168, %mul3A_186 : i32
      %get3A_188 = arith.index_cast %mul3A_187 : i32 to index
      %get3A_189 = arith.constant 0 : index
      %get3A_190 = vector.load %arg20[%get3A_188, %get3A_189] : memref<1000x64xf32, #tpu.memory_space<vmem>>, vector<8x64xf32>
      %dot_general3A_191 = arith.constant dense<0.000000e+00> : vector<8x64xf32>
      %dot_general3A_192 = tpu.matmul %scan3A_169, %slice3A, %dot_general3A_191 {dimension_numbers = #tpu.dot_dimension_numbers<[1], [0], [0], [1], [0, 0, 1, 1], [], []>, transpose_lhs_hint = false} : vector<8x64xf32>, vector<64x64xf32>, vector<8x64xf32> -> vector<8x64xf32>
      %dot_general3A_193 = arith.constant dense<0.000000e+00> : vector<8x64xf32>
      %dot_general3A_194 = tpu.matmul %scan3A_169, %slice3A_80, %dot_general3A_193 {dimension_numbers = #tpu.dot_dimension_numbers<[1], [0], [0], [1], [0, 0, 1, 1], [], []>, transpose_lhs_hint = false} : vector<8x64xf32>, vector<64x64xf32>, vector<8x64xf32> -> vector<8x64xf32>
      %dot_general3A_195 = arith.constant dense<0.000000e+00> : vector<8x64xf32>
      %dot_general3A_196 = tpu.matmul %scan3A_169, %slice3A_106, %dot_general3A_195 {dimension_numbers = #tpu.dot_dimension_numbers<[1], [0], [0], [1], [0, 0, 1, 1], [], []>, transpose_lhs_hint = false} : vector<8x64xf32>, vector<64x64xf32>, vector<8x64xf32> -> vector<8x64xf32>
      %dot_general3A_197 = arith.constant dense<0.000000e+00> : vector<8x64xf32>
      %dot_general3A_198 = tpu.matmul %scan3A_169, %slice3A_132, %dot_general3A_197 {dimension_numbers = #tpu.dot_dimension_numbers<[1], [0], [0], [1], [0, 0, 1, 1], [], []>, transpose_lhs_hint = false} : vector<8x64xf32>, vector<64x64xf32>, vector<8x64xf32> -> vector<8x64xf32>
      %slice3A_199 = vector.extract_strided_slice %get3A_175 {offsets = [0, 0], sizes = [1, 64], strides = [1, 1]} : vector<8x64xf32> to vector<1x64xf32>
      %slice3A_200 = vector.extract_strided_slice %dot_general3A_192 {offsets = [0, 0], sizes = [1, 64], strides = [1, 1]} : vector<8x64xf32> to vector<1x64xf32>
      %add3A_201 = arith.addf %slice3A_199, %slice3A_200 : vector<1x64xf32>
      %mul3A_202 = arith.constant 5.000000e-01 : f32
      %mul3A_203 = vector.broadcast %mul3A_202 : f32 to vector<1x64xf32>
      %mul3A_204 = arith.mulf %mul3A_203, %add3A_201 : vector<1x64xf32>
      %tanh3A = math.tanh %mul3A_204 : vector<1x64xf32>
      %mul3A_205 = arith.constant 5.000000e-01 : f32
      %mul3A_206 = vector.broadcast %mul3A_205 : f32 to vector<1x64xf32>
      %mul3A_207 = arith.mulf %mul3A_206, %tanh3A : vector<1x64xf32>
      %add3A_208 = arith.constant 5.000000e-01 : f32
      %add3A_209 = vector.broadcast %add3A_208 : f32 to vector<1x64xf32>
      %add3A_210 = arith.addf %mul3A_207, %add3A_209 : vector<1x64xf32>
      %slice3A_211 = vector.extract_strided_slice %get3A_180 {offsets = [0, 0], sizes = [1, 64], strides = [1, 1]} : vector<8x64xf32> to vector<1x64xf32>
      %slice3A_212 = vector.extract_strided_slice %dot_general3A_194 {offsets = [0, 0], sizes = [1, 64], strides = [1, 1]} : vector<8x64xf32> to vector<1x64xf32>
      %add3A_213 = arith.addf %slice3A_211, %slice3A_212 : vector<1x64xf32>
      %mul3A_214 = arith.constant 5.000000e-01 : f32
      %mul3A_215 = vector.broadcast %mul3A_214 : f32 to vector<1x64xf32>
      %mul3A_216 = arith.mulf %mul3A_215, %add3A_213 : vector<1x64xf32>
      %tanh3A_217 = math.tanh %mul3A_216 : vector<1x64xf32>
      %mul3A_218 = arith.constant 5.000000e-01 : f32
      %mul3A_219 = vector.broadcast %mul3A_218 : f32 to vector<1x64xf32>
      %mul3A_220 = arith.mulf %mul3A_219, %tanh3A_217 : vector<1x64xf32>
      %add3A_221 = arith.constant 5.000000e-01 : f32
      %add3A_222 = vector.broadcast %add3A_221 : f32 to vector<1x64xf32>
      %add3A_223 = arith.addf %mul3A_220, %add3A_222 : vector<1x64xf32>
      %slice3A_224 = vector.extract_strided_slice %get3A_185 {offsets = [0, 0], sizes = [1, 64], strides = [1, 1]} : vector<8x64xf32> to vector<1x64xf32>
      %slice3A_225 = vector.extract_strided_slice %dot_general3A_196 {offsets = [0, 0], sizes = [1, 64], strides = [1, 1]} : vector<8x64xf32> to vector<1x64xf32>
      %add3A_226 = arith.addf %slice3A_224, %slice3A_225 : vector<1x64xf32>
      %tanh3A_227 = math.tanh %add3A_226 : vector<1x64xf32>
      %slice3A_228 = vector.extract_strided_slice %get3A_190 {offsets = [0, 0], sizes = [1, 64], strides = [1, 1]} : vector<8x64xf32> to vector<1x64xf32>
      %slice3A_229 = vector.extract_strided_slice %dot_general3A_198 {offsets = [0, 0], sizes = [1, 64], strides = [1, 1]} : vector<8x64xf32> to vector<1x64xf32>
      %add3A_230 = arith.addf %slice3A_228, %slice3A_229 : vector<1x64xf32>
      %mul3A_231 = arith.constant 5.000000e-01 : f32
      %mul3A_232 = vector.broadcast %mul3A_231 : f32 to vector<1x64xf32>
      %mul3A_233 = arith.mulf %mul3A_232, %add3A_230 : vector<1x64xf32>
      %tanh3A_234 = math.tanh %mul3A_233 : vector<1x64xf32>
      %mul3A_235 = arith.constant 5.000000e-01 : f32
      %mul3A_236 = vector.broadcast %mul3A_235 : f32 to vector<1x64xf32>
      %mul3A_237 = arith.mulf %mul3A_236, %tanh3A_234 : vector<1x64xf32>
      %add3A_238 = arith.constant 5.000000e-01 : f32
      %add3A_239 = vector.broadcast %add3A_238 : f32 to vector<1x64xf32>
      %add3A_240 = arith.addf %mul3A_237, %add3A_239 : vector<1x64xf32>
      %mul3A_241 = arith.mulf %add3A_223, %scan3A_170 : vector<1x64xf32>
      %mul3A_242 = arith.mulf %add3A_210, %tanh3A_227 : vector<1x64xf32>
      %add3A_243 = arith.addf %mul3A_241, %mul3A_242 : vector<1x64xf32>
      %tanh3A_244 = math.tanh %add3A_243 : vector<1x64xf32>
      %mul3A_245 = arith.mulf %add3A_240, %tanh3A_244 : vector<1x64xf32>
      %mul3A_246 = arith.constant 8 : i32
      %mul3A_247 = arith.muli %scan3A_168, %mul3A_246 : i32
      %add3A_248 = arith.constant 0 : i32
      %add3A_249 = arith.addi %mul3A_247, %add3A_248 : i32
      %swap3A_250 = arith.index_cast %add3A_249 : i32 to index
      %swap3A_251 = arith.constant 0 : index
      %swap3A_252 = vector.load %arg16[%swap3A_250, %swap3A_251] : memref<1000x64xf32, #tpu.memory_space<vmem>>, vector<1x64xf32>
      tpu.vector_store %arg16[%swap3A_250, %swap3A_251], %mul3A_245 {strides = array<i32>} : memref<1000x64xf32, #tpu.memory_space<vmem>>, vector<1x64xf32>,
      %broadcast_in_dim3A_253 = vector.shape_cast %mul3A_245 : vector<1x64xf32> to vector<1x64xf32>
      %broadcast_in_dim3A_254 = vector.broadcast %broadcast_in_dim3A_253 : vector<1x64xf32> to vector<8x64xf32>
      %dot_general3A_255 = arith.constant dense<0.000000e+00> : vector<8x64xf32>
      %dot_general3A_256 = tpu.matmul %broadcast_in_dim3A_254, %slice3A, %dot_general3A_255 {dimension_numbers = #tpu.dot_dimension_numbers<[1], [0], [0], [1], [0, 0, 1, 1], [], []>, transpose_lhs_hint = false} : vector<8x64xf32>, vector<64x64xf32>, vector<8x64xf32> -> vector<8x64xf32>
      %dot_general3A_257 = arith.constant dense<0.000000e+00> : vector<8x64xf32>
      %dot_general3A_258 = tpu.matmul %broadcast_in_dim3A_254, %slice3A_80, %dot_general3A_257 {dimension_numbers = #tpu.dot_dimension_numbers<[1], [0], [0], [1], [0, 0, 1, 1], [], []>, transpose_lhs_hint = false} : vector<8x64xf32>, vector<64x64xf32>, vector<8x64xf32> -> vector<8x64xf32>
      %dot_general3A_259 = arith.constant dense<0.000000e+00> : vector<8x64xf32>
      %dot_general3A_260 = tpu.matmul %broadcast_in_dim3A_254, %slice3A_106, %dot_general3A_259 {dimension_numbers = #tpu.dot_dimension_numbers<[1], [0], [0], [1], [0, 0, 1, 1], [], []>, transpose_lhs_hint = false} : vector<8x64xf32>, vector<64x64xf32>, vector<8x64xf32> -> vector<8x64xf32>
      %dot_general3A_261 = arith.constant dense<0.000000e+00> : vector<8x64xf32>
      %dot_general3A_262 = tpu.matmul %broadcast_in_dim3A_254, %slice3A_132, %dot_general3A_261 {dimension_numbers = #tpu.dot_dimension_numbers<[1], [0], [0], [1], [0, 0, 1, 1], [], []>, transpose_lhs_hint = false} : vector<8x64xf32>, vector<64x64xf32>, vector<8x64xf32> -> vector<8x64xf32>
      %slice3A_263 = vector.extract_strided_slice %get3A_175 {offsets = [1, 0], sizes = [1, 64], strides = [1, 1]} : vector<8x64xf32> to vector<1x64xf32>
      %slice3A_264 = vector.extract_strided_slice %dot_general3A_256 {offsets = [0, 0], sizes = [1, 64], strides = [1, 1]} : vector<8x64xf32> to vector<1x64xf32>
      %add3A_265 = arith.addf %slice3A_263, %slice3A_264 : vector<1x64xf32>
      %mul3A_266 = arith.constant 5.000000e-01 : f32
      %mul3A_267 = vector.broadcast %mul3A_266 : f32 to vector<1x64xf32>
      %mul3A_268 = arith.mulf %mul3A_267, %add3A_265 : vector<1x64xf32>
      %tanh3A_269 = math.tanh %mul3A_268 : vector<1x64xf32>
      %mul3A_270 = arith.constant 5.000000e-01 : f32
      %mul3A_271 = vector.broadcast %mul3A_270 : f32 to vector<1x64xf32>
      %mul3A_272 = arith.mulf %mul3A_271, %tanh3A_269 : vector<1x64xf32>
      %add3A_273 = arith.constant 5.000000e-01 : f32
      %add3A_274 = vector.broadcast %add3A_273 : f32 to vector<1x64xf32>
      %add3A_275 = arith.addf %mul3A_272, %add3A_274 : vector<1x64xf32>
      %slice3A_276 = vector.extract_strided_slice %get3A_180 {offsets = [1, 0], sizes = [1, 64], strides = [1, 1]} : vector<8x64xf32> to vector<1x64xf32>
      %slice3A_277 = vector.extract_strided_slice %dot_general3A_258 {offsets = [0, 0], sizes = [1, 64], strides = [1, 1]} : vector<8x64xf32> to vector<1x64xf32>
      %add3A_278 = arith.addf %slice3A_276, %slice3A_277 : vector<1x64xf32>
      %mul3A_279 = arith.constant 5.000000e-01 : f32
      %mul3A_280 = vector.broadcast %mul3A_279 : f32 to vector<1x64xf32>
      %mul3A_281 = arith.mulf %mul3A_280, %add3A_278 : vector<1x64xf32>
      %tanh3A_282 = math.tanh %mul3A_281 : vector<1x64xf32>
      %mul3A_283 = arith.constant 5.000000e-01 : f32
      %mul3A_284 = vector.broadcast %mul3A_283 : f32 to vector<1x64xf32>
      %mul3A_285 = arith.mulf %mul3A_284, %tanh3A_282 : vector<1x64xf32>
      %add3A_286 = arith.constant 5.000000e-01 : f32
      %add3A_287 = vector.broadcast %add3A_286 : f32 to vector<1x64xf32>
      %add3A_288 = arith.addf %mul3A_285, %add3A_287 : vector<1x64xf32>
      %slice3A_289 = vector.extract_strided_slice %get3A_185 {offsets = [1, 0], sizes = [1, 64], strides = [1, 1]} : vector<8x64xf32> to vector<1x64xf32>
      %slice3A_290 = vector.extract_strided_slice %dot_general3A_260 {offsets = [0, 0], sizes = [1, 64], strides = [1, 1]} : vector<8x64xf32> to vector<1x64xf32>
      %add3A_291 = arith.addf %slice3A_289, %slice3A_290 : vector<1x64xf32>
      %tanh3A_292 = math.tanh %add3A_291 : vector<1x64xf32>
      %slice3A_293 = vector.extract_strided_slice %get3A_190 {offsets = [1, 0], sizes = [1, 64], strides = [1, 1]} : vector<8x64xf32> to vector<1x64xf32>
      %slice3A_294 = vector.extract_strided_slice %dot_general3A_262 {offsets = [0, 0], sizes = [1, 64], strides = [1, 1]} : vector<8x64xf32> to vector<1x64xf32>
      %add3A_295 = arith.addf %slice3A_293, %slice3A_294 : vector<1x64xf32>
      %mul3A_296 = arith.constant 5.000000e-01 : f32
      %mul3A_297 = vector.broadcast %mul3A_296 : f32 to vector<1x64xf32>
      %mul3A_298 = arith.mulf %mul3A_297, %add3A_295 : vector<1x64xf32>
      %tanh3A_299 = math.tanh %mul3A_298 : vector<1x64xf32>
      %mul3A_300 = arith.constant 5.000000e-01 : f32
      %mul3A_301 = vector.broadcast %mul3A_300 : f32 to vector<1x64xf32>
      %mul3A_302 = arith.mulf %mul3A_301, %tanh3A_299 : vector<1x64xf32>
      %add3A_303 = arith.constant 5.000000e-01 : f32
      %add3A_304 = vector.broadcast %add3A_303 : f32 to vector<1x64xf32>
      %add3A_305 = arith.addf %mul3A_302, %add3A_304 : vector<1x64xf32>
      %mul3A_306 = arith.mulf %add3A_288, %add3A_243 : vector<1x64xf32>
      %mul3A_307 = arith.mulf %add3A_275, %tanh3A_292 : vector<1x64xf32>
      %add3A_308 = arith.addf %mul3A_306, %mul3A_307 : vector<1x64xf32>
      %tanh3A_309 = math.tanh %add3A_308 : vector<1x64xf32>
      %mul3A_310 = arith.mulf %add3A_305, %tanh3A_309 : vector<1x64xf32>
      %mul3A_311 = arith.constant 8 : i32
      %mul3A_312 = arith.muli %scan3A_168, %mul3A_311 : i32
      %add3A_313 = arith.constant 1 : i32
      %add3A_314 = arith.addi %mul3A_312, %add3A_313 : i32
      %swap3A_315 = arith.index_cast %add3A_314 : i32 to index
      %swap3A_316 = arith.constant 0 : index
      %swap3A_317 = vector.load %arg16[%swap3A_315, %swap3A_316] : memref<1000x64xf32, #tpu.memory_space<vmem>>, vector<1x64xf32>
      tpu.vector_store %arg16[%swap3A_315, %swap3A_316], %mul3A_310 {strides = array<i32>} : memref<1000x64xf32, #tpu.memory_space<vmem>>, vector<1x64xf32>,
      %broadcast_in_dim3A_318 = vector.shape_cast %mul3A_310 : vector<1x64xf32> to vector<1x64xf32>
      %broadcast_in_dim3A_319 = vector.broadcast %broadcast_in_dim3A_318 : vector<1x64xf32> to vector<8x64xf32>
      %dot_general3A_320 = arith.constant dense<0.000000e+00> : vector<8x64xf32>
      %dot_general3A_321 = tpu.matmul %broadcast_in_dim3A_319, %slice3A, %dot_general3A_320 {dimension_numbers = #tpu.dot_dimension_numbers<[1], [0], [0], [1], [0, 0, 1, 1], [], []>, transpose_lhs_hint = false} : vector<8x64xf32>, vector<64x64xf32>, vector<8x64xf32> -> vector<8x64xf32>
      %dot_general3A_322 = arith.constant dense<0.000000e+00> : vector<8x64xf32>
      %dot_general3A_323 = tpu.matmul %broadcast_in_dim3A_319, %slice3A_80, %dot_general3A_322 {dimension_numbers = #tpu.dot_dimension_numbers<[1], [0], [0], [1], [0, 0, 1, 1], [], []>, transpose_lhs_hint = false} : vector<8x64xf32>, vector<64x64xf32>, vector<8x64xf32> -> vector<8x64xf32>
      %dot_general3A_324 = arith.constant dense<0.000000e+00> : vector<8x64xf32>
      %dot_general3A_325 = tpu.matmul %broadcast_in_dim3A_319, %slice3A_106, %dot_general3A_324 {dimension_numbers = #tpu.dot_dimension_numbers<[1], [0], [0], [1], [0, 0, 1, 1], [], []>, transpose_lhs_hint = false} : vector<8x64xf32>, vector<64x64xf32>, vector<8x64xf32> -> vector<8x64xf32>
      %dot_general3A_326 = arith.constant dense<0.000000e+00> : vector<8x64xf32>
      %dot_general3A_327 = tpu.matmul %broadcast_in_dim3A_319, %slice3A_132, %dot_general3A_326 {dimension_numbers = #tpu.dot_dimension_numbers<[1], [0], [0], [1], [0, 0, 1, 1], [], []>, transpose_lhs_hint = false} : vector<8x64xf32>, vector<64x64xf32>, vector<8x64xf32> -> vector<8x64xf32>
      %slice3A_328 = vector.extract_strided_slice %get3A_175 {offsets = [2, 0], sizes = [1, 64], strides = [1, 1]} : vector<8x64xf32> to vector<1x64xf32>
      %slice3A_329 = vector.extract_strided_slice %dot_general3A_321 {offsets = [0, 0], sizes = [1, 64], strides = [1, 1]} : vector<8x64xf32> to vector<1x64xf32>
      %add3A_330 = arith.addf %slice3A_328, %slice3A_329 : vector<1x64xf32>
      %mul3A_331 = arith.constant 5.000000e-01 : f32
      %mul3A_332 = vector.broadcast %mul3A_331 : f32 to vector<1x64xf32>
      %mul3A_333 = arith.mulf %mul3A_332, %add3A_330 : vector<1x64xf32>
      %tanh3A_334 = math.tanh %mul3A_333 : vector<1x64xf32>
      %mul3A_335 = arith.constant 5.000000e-01 : f32
      %mul3A_336 = vector.broadcast %mul3A_335 : f32 to vector<1x64xf32>
      %mul3A_337 = arith.mulf %mul3A_336, %tanh3A_334 : vector<1x64xf32>
      %add3A_338 = arith.constant 5.000000e-01 : f32
      %add3A_339 = vector.broadcast %add3A_338 : f32 to vector<1x64xf32>
      %add3A_340 = arith.addf %mul3A_337, %add3A_339 : vector<1x64xf32>
      %slice3A_341 = vector.extract_strided_slice %get3A_180 {offsets = [2, 0], sizes = [1, 64], strides = [1, 1]} : vector<8x64xf32> to vector<1x64xf32>
      %slice3A_342 = vector.extract_strided_slice %dot_general3A_323 {offsets = [0, 0], sizes = [1, 64], strides = [1, 1]} : vector<8x64xf32> to vector<1x64xf32>
      %add3A_343 = arith.addf %slice3A_341, %slice3A_342 : vector<1x64xf32>
      %mul3A_344 = arith.constant 5.000000e-01 : f32
      %mul3A_345 = vector.broadcast %mul3A_344 : f32 to vector<1x64xf32>
      %mul3A_346 = arith.mulf %mul3A_345, %add3A_343 : vector<1x64xf32>
      %tanh3A_347 = math.tanh %mul3A_346 : vector<1x64xf32>
      %mul3A_348 = arith.constant 5.000000e-01 : f32
      %mul3A_349 = vector.broadcast %mul3A_348 : f32 to vector<1x64xf32>
      %mul3A_350 = arith.mulf %mul3A_349, %tanh3A_347 : vector<1x64xf32>
      %add3A_351 = arith.constant 5.000000e-01 : f32
      %add3A_352 = vector.broadcast %add3A_351 : f32 to vector<1x64xf32>
      %add3A_353 = arith.addf %mul3A_350, %add3A_352 : vector<1x64xf32>
      %slice3A_354 = vector.extract_strided_slice %get3A_185 {offsets = [2, 0], sizes = [1, 64], strides = [1, 1]} : vector<8x64xf32> to vector<1x64xf32>
      %slice3A_355 = vector.extract_strided_slice %dot_general3A_325 {offsets = [0, 0], sizes = [1, 64], strides = [1, 1]} : vector<8x64xf32> to vector<1x64xf32>
      %add3A_356 = arith.addf %slice3A_354, %slice3A_355 : vector<1x64xf32>
      %tanh3A_357 = math.tanh %add3A_356 : vector<1x64xf32>
      %slice3A_358 = vector.extract_strided_slice %get3A_190 {offsets = [2, 0], sizes = [1, 64], strides = [1, 1]} : vector<8x64xf32> to vector<1x64xf32>
      %slice3A_359 = vector.extract_strided_slice %dot_general3A_327 {offsets = [0, 0], sizes = [1, 64], strides = [1, 1]} : vector<8x64xf32> to vector<1x64xf32>
      %add3A_360 = arith.addf %slice3A_358, %slice3A_359 : vector<1x64xf32>
      %mul3A_361 = arith.constant 5.000000e-01 : f32
      %mul3A_362 = vector.broadcast %mul3A_361 : f32 to vector<1x64xf32>
      %mul3A_363 = arith.mulf %mul3A_362, %add3A_360 : vector<1x64xf32>
      %tanh3A_364 = math.tanh %mul3A_363 : vector<1x64xf32>
      %mul3A_365 = arith.constant 5.000000e-01 : f32
      %mul3A_366 = vector.broadcast %mul3A_365 : f32 to vector<1x64xf32>
      %mul3A_367 = arith.mulf %mul3A_366, %tanh3A_364 : vector<1x64xf32>
      %add3A_368 = arith.constant 5.000000e-01 : f32
      %add3A_369 = vector.broadcast %add3A_368 : f32 to vector<1x64xf32>
      %add3A_370 = arith.addf %mul3A_367, %add3A_369 : vector<1x64xf32>
      %mul3A_371 = arith.mulf %add3A_353, %add3A_308 : vector<1x64xf32>
      %mul3A_372 = arith.mulf %add3A_340, %tanh3A_357 : vector<1x64xf32>
      %add3A_373 = arith.addf %mul3A_371, %mul3A_372 : vector<1x64xf32>
      %tanh3A_374 = math.tanh %add3A_373 : vector<1x64xf32>
      %mul3A_375 = arith.mulf %add3A_370, %tanh3A_374 : vector<1x64xf32>
      %mul3A_376 = arith.constant 8 : i32
      %mul3A_377 = arith.muli %scan3A_168, %mul3A_376 : i32
      %add3A_378 = arith.constant 2 : i32
      %add3A_379 = arith.addi %mul3A_377, %add3A_378 : i32
      %swap3A_380 = arith.index_cast %add3A_379 : i32 to index
      %swap3A_381 = arith.constant 0 : index
      %swap3A_382 = vector.load %arg16[%swap3A_380, %swap3A_381] : memref<1000x64xf32, #tpu.memory_space<vmem>>, vector<1x64xf32>
      tpu.vector_store %arg16[%swap3A_380, %swap3A_381], %mul3A_375 {strides = array<i32>} : memref<1000x64xf32, #tpu.memory_space<vmem>>, vector<1x64xf32>,
      %broadcast_in_dim3A_383 = vector.shape_cast %mul3A_375 : vector<1x64xf32> to vector<1x64xf32>
      %broadcast_in_dim3A_384 = vector.broadcast %broadcast_in_dim3A_383 : vector<1x64xf32> to vector<8x64xf32>
      %dot_general3A_385 = arith.constant dense<0.000000e+00> : vector<8x64xf32>
      %dot_general3A_386 = tpu.matmul %broadcast_in_dim3A_384, %slice3A, %dot_general3A_385 {dimension_numbers = #tpu.dot_dimension_numbers<[1], [0], [0], [1], [0, 0, 1, 1], [], []>, transpose_lhs_hint = false} : vector<8x64xf32>, vector<64x64xf32>, vector<8x64xf32> -> vector<8x64xf32>
      %dot_general3A_387 = arith.constant dense<0.000000e+00> : vector<8x64xf32>
      %dot_general3A_388 = tpu.matmul %broadcast_in_dim3A_384, %slice3A_80, %dot_general3A_387 {dimension_numbers = #tpu.dot_dimension_numbers<[1], [0], [0], [1], [0, 0, 1, 1], [], []>, transpose_lhs_hint = false} : vector<8x64xf32>, vector<64x64xf32>, vector<8x64xf32> -> vector<8x64xf32>
      %dot_general3A_389 = arith.constant dense<0.000000e+00> : vector<8x64xf32>
      %dot_general3A_390 = tpu.matmul %broadcast_in_dim3A_384, %slice3A_106, %dot_general3A_389 {dimension_numbers = #tpu.dot_dimension_numbers<[1], [0], [0], [1], [0, 0, 1, 1], [], []>, transpose_lhs_hint = false} : vector<8x64xf32>, vector<64x64xf32>, vector<8x64xf32> -> vector<8x64xf32>
      %dot_general3A_391 = arith.constant dense<0.000000e+00> : vector<8x64xf32>
      %dot_general3A_392 = tpu.matmul %broadcast_in_dim3A_384, %slice3A_132, %dot_general3A_391 {dimension_numbers = #tpu.dot_dimension_numbers<[1], [0], [0], [1], [0, 0, 1, 1], [], []>, transpose_lhs_hint = false} : vector<8x64xf32>, vector<64x64xf32>, vector<8x64xf32> -> vector<8x64xf32>
      %slice3A_393 = vector.extract_strided_slice %get3A_175 {offsets = [3, 0], sizes = [1, 64], strides = [1, 1]} : vector<8x64xf32> to vector<1x64xf32>
      %slice3A_394 = vector.extract_strided_slice %dot_general3A_386 {offsets = [0, 0], sizes = [1, 64], strides = [1, 1]} : vector<8x64xf32> to vector<1x64xf32>
      %add3A_395 = arith.addf %slice3A_393, %slice3A_394 : vector<1x64xf32>
      %mul3A_396 = arith.constant 5.000000e-01 : f32
      %mul3A_397 = vector.broadcast %mul3A_396 : f32 to vector<1x64xf32>
      %mul3A_398 = arith.mulf %mul3A_397, %add3A_395 : vector<1x64xf32>
      %tanh3A_399 = math.tanh %mul3A_398 : vector<1x64xf32>
      %mul3A_400 = arith.constant 5.000000e-01 : f32
      %mul3A_401 = vector.broadcast %mul3A_400 : f32 to vector<1x64xf32>
      %mul3A_402 = arith.mulf %mul3A_401, %tanh3A_399 : vector<1x64xf32>
      %add3A_403 = arith.constant 5.000000e-01 : f32
      %add3A_404 = vector.broadcast %add3A_403 : f32 to vector<1x64xf32>
      %add3A_405 = arith.addf %mul3A_402, %add3A_404 : vector<1x64xf32>
      %slice3A_406 = vector.extract_strided_slice %get3A_180 {offsets = [3, 0], sizes = [1, 64], strides = [1, 1]} : vector<8x64xf32> to vector<1x64xf32>
      %slice3A_407 = vector.extract_strided_slice %dot_general3A_388 {offsets = [0, 0], sizes = [1, 64], strides = [1, 1]} : vector<8x64xf32> to vector<1x64xf32>
      %add3A_408 = arith.addf %slice3A_406, %slice3A_407 : vector<1x64xf32>
      %mul3A_409 = arith.constant 5.000000e-01 : f32
      %mul3A_410 = vector.broadcast %mul3A_409 : f32 to vector<1x64xf32>
      %mul3A_411 = arith.mulf %mul3A_410, %add3A_408 : vector<1x64xf32>
      %tanh3A_412 = math.tanh %mul3A_411 : vector<1x64xf32>
      %mul3A_413 = arith.constant 5.000000e-01 : f32
      %mul3A_414 = vector.broadcast %mul3A_413 : f32 to vector<1x64xf32>
      %mul3A_415 = arith.mulf %mul3A_414, %tanh3A_412 : vector<1x64xf32>
      %add3A_416 = arith.constant 5.000000e-01 : f32
      %add3A_417 = vector.broadcast %add3A_416 : f32 to vector<1x64xf32>
      %add3A_418 = arith.addf %mul3A_415, %add3A_417 : vector<1x64xf32>
      %slice3A_419 = vector.extract_strided_slice %get3A_185 {offsets = [3, 0], sizes = [1, 64], strides = [1, 1]} : vector<8x64xf32> to vector<1x64xf32>
      %slice3A_420 = vector.extract_strided_slice %dot_general3A_390 {offsets = [0, 0], sizes = [1, 64], strides = [1, 1]} : vector<8x64xf32> to vector<1x64xf32>
      %add3A_421 = arith.addf %slice3A_419, %slice3A_420 : vector<1x64xf32>
      %tanh3A_422 = math.tanh %add3A_421 : vector<1x64xf32>
      %slice3A_423 = vector.extract_strided_slice %get3A_190 {offsets = [3, 0], sizes = [1, 64], strides = [1, 1]} : vector<8x64xf32> to vector<1x64xf32>
      %slice3A_424 = vector.extract_strided_slice %dot_general3A_392 {offsets = [0, 0], sizes = [1, 64], strides = [1, 1]} : vector<8x64xf32> to vector<1x64xf32>
      %add3A_425 = arith.addf %slice3A_423, %slice3A_424 : vector<1x64xf32>
      %mul3A_426 = arith.constant 5.000000e-01 : f32
      %mul3A_427 = vector.broadcast %mul3A_426 : f32 to vector<1x64xf32>
      %mul3A_428 = arith.mulf %mul3A_427, %add3A_425 : vector<1x64xf32>
      %tanh3A_429 = math.tanh %mul3A_428 : vector<1x64xf32>
      %mul3A_430 = arith.constant 5.000000e-01 : f32
      %mul3A_431 = vector.broadcast %mul3A_430 : f32 to vector<1x64xf32>
      %mul3A_432 = arith.mulf %mul3A_431, %tanh3A_429 : vector<1x64xf32>
      %add3A_433 = arith.constant 5.000000e-01 : f32
      %add3A_434 = vector.broadcast %add3A_433 : f32 to vector<1x64xf32>
      %add3A_435 = arith.addf %mul3A_432, %add3A_434 : vector<1x64xf32>
      %mul3A_436 = arith.mulf %add3A_418, %add3A_373 : vector<1x64xf32>
      %mul3A_437 = arith.mulf %add3A_405, %tanh3A_422 : vector<1x64xf32>
      %add3A_438 = arith.addf %mul3A_436, %mul3A_437 : vector<1x64xf32>
      %tanh3A_439 = math.tanh %add3A_438 : vector<1x64xf32>
      %mul3A_440 = arith.mulf %add3A_435, %tanh3A_439 : vector<1x64xf32>
      %mul3A_441 = arith.constant 8 : i32
      %mul3A_442 = arith.muli %scan3A_168, %mul3A_441 : i32
      %add3A_443 = arith.constant 3 : i32
      %add3A_444 = arith.addi %mul3A_442, %add3A_443 : i32
      %swap3A_445 = arith.index_cast %add3A_444 : i32 to index
      %swap3A_446 = arith.constant 0 : index
      %swap3A_447 = vector.load %arg16[%swap3A_445, %swap3A_446] : memref<1000x64xf32, #tpu.memory_space<vmem>>, vector<1x64xf32>
      tpu.vector_store %arg16[%swap3A_445, %swap3A_446], %mul3A_440 {strides = array<i32>} : memref<1000x64xf32, #tpu.memory_space<vmem>>, vector<1x64xf32>,
      %broadcast_in_dim3A_448 = vector.shape_cast %mul3A_440 : vector<1x64xf32> to vector<1x64xf32>
      %broadcast_in_dim3A_449 = vector.broadcast %broadcast_in_dim3A_448 : vector<1x64xf32> to vector<8x64xf32>
      %dot_general3A_450 = arith.constant dense<0.000000e+00> : vector<8x64xf32>
      %dot_general3A_451 = tpu.matmul %broadcast_in_dim3A_449, %slice3A, %dot_general3A_450 {dimension_numbers = #tpu.dot_dimension_numbers<[1], [0], [0], [1], [0, 0, 1, 1], [], []>, transpose_lhs_hint = false} : vector<8x64xf32>, vector<64x64xf32>, vector<8x64xf32> -> vector<8x64xf32>
      %dot_general3A_452 = arith.constant dense<0.000000e+00> : vector<8x64xf32>
      %dot_general3A_453 = tpu.matmul %broadcast_in_dim3A_449, %slice3A_80, %dot_general3A_452 {dimension_numbers = #tpu.dot_dimension_numbers<[1], [0], [0], [1], [0, 0, 1, 1], [], []>, transpose_lhs_hint = false} : vector<8x64xf32>, vector<64x64xf32>, vector<8x64xf32> -> vector<8x64xf32>
      %dot_general3A_454 = arith.constant dense<0.000000e+00> : vector<8x64xf32>
      %dot_general3A_455 = tpu.matmul %broadcast_in_dim3A_449, %slice3A_106, %dot_general3A_454 {dimension_numbers = #tpu.dot_dimension_numbers<[1], [0], [0], [1], [0, 0, 1, 1], [], []>, transpose_lhs_hint = false} : vector<8x64xf32>, vector<64x64xf32>, vector<8x64xf32> -> vector<8x64xf32>
      %dot_general3A_456 = arith.constant dense<0.000000e+00> : vector<8x64xf32>
      %dot_general3A_457 = tpu.matmul %broadcast_in_dim3A_449, %slice3A_132, %dot_general3A_456 {dimension_numbers = #tpu.dot_dimension_numbers<[1], [0], [0], [1], [0, 0, 1, 1], [], []>, transpose_lhs_hint = false} : vector<8x64xf32>, vector<64x64xf32>, vector<8x64xf32> -> vector<8x64xf32>
      %slice3A_458 = vector.extract_strided_slice %get3A_175 {offsets = [4, 0], sizes = [1, 64], strides = [1, 1]} : vector<8x64xf32> to vector<1x64xf32>
      %slice3A_459 = vector.extract_strided_slice %dot_general3A_451 {offsets = [0, 0], sizes = [1, 64], strides = [1, 1]} : vector<8x64xf32> to vector<1x64xf32>
      %add3A_460 = arith.addf %slice3A_458, %slice3A_459 : vector<1x64xf32>
      %mul3A_461 = arith.constant 5.000000e-01 : f32
      %mul3A_462 = vector.broadcast %mul3A_461 : f32 to vector<1x64xf32>
      %mul3A_463 = arith.mulf %mul3A_462, %add3A_460 : vector<1x64xf32>
      %tanh3A_464 = math.tanh %mul3A_463 : vector<1x64xf32>
      %mul3A_465 = arith.constant 5.000000e-01 : f32
      %mul3A_466 = vector.broadcast %mul3A_465 : f32 to vector<1x64xf32>
      %mul3A_467 = arith.mulf %mul3A_466, %tanh3A_464 : vector<1x64xf32>
      %add3A_468 = arith.constant 5.000000e-01 : f32
      %add3A_469 = vector.broadcast %add3A_468 : f32 to vector<1x64xf32>
      %add3A_470 = arith.addf %mul3A_467, %add3A_469 : vector<1x64xf32>
      %slice3A_471 = vector.extract_strided_slice %get3A_180 {offsets = [4, 0], sizes = [1, 64], strides = [1, 1]} : vector<8x64xf32> to vector<1x64xf32>
      %slice3A_472 = vector.extract_strided_slice %dot_general3A_453 {offsets = [0, 0], sizes = [1, 64], strides = [1, 1]} : vector<8x64xf32> to vector<1x64xf32>
      %add3A_473 = arith.addf %slice3A_471, %slice3A_472 : vector<1x64xf32>
      %mul3A_474 = arith.constant 5.000000e-01 : f32
      %mul3A_475 = vector.broadcast %mul3A_474 : f32 to vector<1x64xf32>
      %mul3A_476 = arith.mulf %mul3A_475, %add3A_473 : vector<1x64xf32>
      %tanh3A_477 = math.tanh %mul3A_476 : vector<1x64xf32>
      %mul3A_478 = arith.constant 5.000000e-01 : f32
      %mul3A_479 = vector.broadcast %mul3A_478 : f32 to vector<1x64xf32>
      %mul3A_480 = arith.mulf %mul3A_479, %tanh3A_477 : vector<1x64xf32>
      %add3A_481 = arith.constant 5.000000e-01 : f32
      %add3A_482 = vector.broadcast %add3A_481 : f32 to vector<1x64xf32>
      %add3A_483 = arith.addf %mul3A_480, %add3A_482 : vector<1x64xf32>
      %slice3A_484 = vector.extract_strided_slice %get3A_185 {offsets = [4, 0], sizes = [1, 64], strides = [1, 1]} : vector<8x64xf32> to vector<1x64xf32>
      %slice3A_485 = vector.extract_strided_slice %dot_general3A_455 {offsets = [0, 0], sizes = [1, 64], strides = [1, 1]} : vector<8x64xf32> to vector<1x64xf32>
      %add3A_486 = arith.addf %slice3A_484, %slice3A_485 : vector<1x64xf32>
      %tanh3A_487 = math.tanh %add3A_486 : vector<1x64xf32>
      %slice3A_488 = vector.extract_strided_slice %get3A_190 {offsets = [4, 0], sizes = [1, 64], strides = [1, 1]} : vector<8x64xf32> to vector<1x64xf32>
      %slice3A_489 = vector.extract_strided_slice %dot_general3A_457 {offsets = [0, 0], sizes = [1, 64], strides = [1, 1]} : vector<8x64xf32> to vector<1x64xf32>
      %add3A_490 = arith.addf %slice3A_488, %slice3A_489 : vector<1x64xf32>
      %mul3A_491 = arith.constant 5.000000e-01 : f32
      %mul3A_492 = vector.broadcast %mul3A_491 : f32 to vector<1x64xf32>
      %mul3A_493 = arith.mulf %mul3A_492, %add3A_490 : vector<1x64xf32>
      %tanh3A_494 = math.tanh %mul3A_493 : vector<1x64xf32>
      %mul3A_495 = arith.constant 5.000000e-01 : f32
      %mul3A_496 = vector.broadcast %mul3A_495 : f32 to vector<1x64xf32>
      %mul3A_497 = arith.mulf %mul3A_496, %tanh3A_494 : vector<1x64xf32>
      %add3A_498 = arith.constant 5.000000e-01 : f32
      %add3A_499 = vector.broadcast %add3A_498 : f32 to vector<1x64xf32>
      %add3A_500 = arith.addf %mul3A_497, %add3A_499 : vector<1x64xf32>
      %mul3A_501 = arith.mulf %add3A_483, %add3A_438 : vector<1x64xf32>
      %mul3A_502 = arith.mulf %add3A_470, %tanh3A_487 : vector<1x64xf32>
      %add3A_503 = arith.addf %mul3A_501, %mul3A_502 : vector<1x64xf32>
      %tanh3A_504 = math.tanh %add3A_503 : vector<1x64xf32>
      %mul3A_505 = arith.mulf %add3A_500, %tanh3A_504 : vector<1x64xf32>
      %mul3A_506 = arith.constant 8 : i32
      %mul3A_507 = arith.muli %scan3A_168, %mul3A_506 : i32
      %add3A_508 = arith.constant 4 : i32
      %add3A_509 = arith.addi %mul3A_507, %add3A_508 : i32
      %swap3A_510 = arith.index_cast %add3A_509 : i32 to index
      %swap3A_511 = arith.constant 0 : index
      %swap3A_512 = vector.load %arg16[%swap3A_510, %swap3A_511] : memref<1000x64xf32, #tpu.memory_space<vmem>>, vector<1x64xf32>
      tpu.vector_store %arg16[%swap3A_510, %swap3A_511], %mul3A_505 {strides = array<i32>} : memref<1000x64xf32, #tpu.memory_space<vmem>>, vector<1x64xf32>,
      %broadcast_in_dim3A_513 = vector.shape_cast %mul3A_505 : vector<1x64xf32> to vector<1x64xf32>
      %broadcast_in_dim3A_514 = vector.broadcast %broadcast_in_dim3A_513 : vector<1x64xf32> to vector<8x64xf32>
      %dot_general3A_515 = arith.constant dense<0.000000e+00> : vector<8x64xf32>
      %dot_general3A_516 = tpu.matmul %broadcast_in_dim3A_514, %slice3A, %dot_general3A_515 {dimension_numbers = #tpu.dot_dimension_numbers<[1], [0], [0], [1], [0, 0, 1, 1], [], []>, transpose_lhs_hint = false} : vector<8x64xf32>, vector<64x64xf32>, vector<8x64xf32> -> vector<8x64xf32>
      %dot_general3A_517 = arith.constant dense<0.000000e+00> : vector<8x64xf32>
      %dot_general3A_518 = tpu.matmul %broadcast_in_dim3A_514, %slice3A_80, %dot_general3A_517 {dimension_numbers = #tpu.dot_dimension_numbers<[1], [0], [0], [1], [0, 0, 1, 1], [], []>, transpose_lhs_hint = false} : vector<8x64xf32>, vector<64x64xf32>, vector<8x64xf32> -> vector<8x64xf32>
      %dot_general3A_519 = arith.constant dense<0.000000e+00> : vector<8x64xf32>
      %dot_general3A_520 = tpu.matmul %broadcast_in_dim3A_514, %slice3A_106, %dot_general3A_519 {dimension_numbers = #tpu.dot_dimension_numbers<[1], [0], [0], [1], [0, 0, 1, 1], [], []>, transpose_lhs_hint = false} : vector<8x64xf32>, vector<64x64xf32>, vector<8x64xf32> -> vector<8x64xf32>
      %dot_general3A_521 = arith.constant dense<0.000000e+00> : vector<8x64xf32>
      %dot_general3A_522 = tpu.matmul %broadcast_in_dim3A_514, %slice3A_132, %dot_general3A_521 {dimension_numbers = #tpu.dot_dimension_numbers<[1], [0], [0], [1], [0, 0, 1, 1], [], []>, transpose_lhs_hint = false} : vector<8x64xf32>, vector<64x64xf32>, vector<8x64xf32> -> vector<8x64xf32>
      %slice3A_523 = vector.extract_strided_slice %get3A_175 {offsets = [5, 0], sizes = [1, 64], strides = [1, 1]} : vector<8x64xf32> to vector<1x64xf32>
      %slice3A_524 = vector.extract_strided_slice %dot_general3A_516 {offsets = [0, 0], sizes = [1, 64], strides = [1, 1]} : vector<8x64xf32> to vector<1x64xf32>
      %add3A_525 = arith.addf %slice3A_523, %slice3A_524 : vector<1x64xf32>
      %mul3A_526 = arith.constant 5.000000e-01 : f32
      %mul3A_527 = vector.broadcast %mul3A_526 : f32 to vector<1x64xf32>
      %mul3A_528 = arith.mulf %mul3A_527, %add3A_525 : vector<1x64xf32>
      %tanh3A_529 = math.tanh %mul3A_528 : vector<1x64xf32>
      %mul3A_530 = arith.constant 5.000000e-01 : f32
      %mul3A_531 = vector.broadcast %mul3A_530 : f32 to vector<1x64xf32>
      %mul3A_532 = arith.mulf %mul3A_531, %tanh3A_529 : vector<1x64xf32>
      %add3A_533 = arith.constant 5.000000e-01 : f32
      %add3A_534 = vector.broadcast %add3A_533 : f32 to vector<1x64xf32>
      %add3A_535 = arith.addf %mul3A_532, %add3A_534 : vector<1x64xf32>
      %slice3A_536 = vector.extract_strided_slice %get3A_180 {offsets = [5, 0], sizes = [1, 64], strides = [1, 1]} : vector<8x64xf32> to vector<1x64xf32>
      %slice3A_537 = vector.extract_strided_slice %dot_general3A_518 {offsets = [0, 0], sizes = [1, 64], strides = [1, 1]} : vector<8x64xf32> to vector<1x64xf32>
      %add3A_538 = arith.addf %slice3A_536, %slice3A_537 : vector<1x64xf32>
      %mul3A_539 = arith.constant 5.000000e-01 : f32
      %mul3A_540 = vector.broadcast %mul3A_539 : f32 to vector<1x64xf32>
      %mul3A_541 = arith.mulf %mul3A_540, %add3A_538 : vector<1x64xf32>
      %tanh3A_542 = math.tanh %mul3A_541 : vector<1x64xf32>
      %mul3A_543 = arith.constant 5.000000e-01 : f32
      %mul3A_544 = vector.broadcast %mul3A_543 : f32 to vector<1x64xf32>
      %mul3A_545 = arith.mulf %mul3A_544, %tanh3A_542 : vector<1x64xf32>
      %add3A_546 = arith.constant 5.000000e-01 : f32
      %add3A_547 = vector.broadcast %add3A_546 : f32 to vector<1x64xf32>
      %add3A_548 = arith.addf %mul3A_545, %add3A_547 : vector<1x64xf32>
      %slice3A_549 = vector.extract_strided_slice %get3A_185 {offsets = [5, 0], sizes = [1, 64], strides = [1, 1]} : vector<8x64xf32> to vector<1x64xf32>
      %slice3A_550 = vector.extract_strided_slice %dot_general3A_520 {offsets = [0, 0], sizes = [1, 64], strides = [1, 1]} : vector<8x64xf32> to vector<1x64xf32>
      %add3A_551 = arith.addf %slice3A_549, %slice3A_550 : vector<1x64xf32>
      %tanh3A_552 = math.tanh %add3A_551 : vector<1x64xf32>
      %slice3A_553 = vector.extract_strided_slice %get3A_190 {offsets = [5, 0], sizes = [1, 64], strides = [1, 1]} : vector<8x64xf32> to vector<1x64xf32>
      %slice3A_554 = vector.extract_strided_slice %dot_general3A_522 {offsets = [0, 0], sizes = [1, 64], strides = [1, 1]} : vector<8x64xf32> to vector<1x64xf32>
      %add3A_555 = arith.addf %slice3A_553, %slice3A_554 : vector<1x64xf32>
      %mul3A_556 = arith.constant 5.000000e-01 : f32
      %mul3A_557 = vector.broadcast %mul3A_556 : f32 to vector<1x64xf32>
      %mul3A_558 = arith.mulf %mul3A_557, %add3A_555 : vector<1x64xf32>
      %tanh3A_559 = math.tanh %mul3A_558 : vector<1x64xf32>
      %mul3A_560 = arith.constant 5.000000e-01 : f32
      %mul3A_561 = vector.broadcast %mul3A_560 : f32 to vector<1x64xf32>
      %mul3A_562 = arith.mulf %mul3A_561, %tanh3A_559 : vector<1x64xf32>
      %add3A_563 = arith.constant 5.000000e-01 : f32
      %add3A_564 = vector.broadcast %add3A_563 : f32 to vector<1x64xf32>
      %add3A_565 = arith.addf %mul3A_562, %add3A_564 : vector<1x64xf32>
      %mul3A_566 = arith.mulf %add3A_548, %add3A_503 : vector<1x64xf32>
      %mul3A_567 = arith.mulf %add3A_535, %tanh3A_552 : vector<1x64xf32>
      %add3A_568 = arith.addf %mul3A_566, %mul3A_567 : vector<1x64xf32>
      %tanh3A_569 = math.tanh %add3A_568 : vector<1x64xf32>
      %mul3A_570 = arith.mulf %add3A_565, %tanh3A_569 : vector<1x64xf32>
      %mul3A_571 = arith.constant 8 : i32
      %mul3A_572 = arith.muli %scan3A_168, %mul3A_571 : i32
      %add3A_573 = arith.constant 5 : i32
      %add3A_574 = arith.addi %mul3A_572, %add3A_573 : i32
      %swap3A_575 = arith.index_cast %add3A_574 : i32 to index
      %swap3A_576 = arith.constant 0 : index
      %swap3A_577 = vector.load %arg16[%swap3A_575, %swap3A_576] : memref<1000x64xf32, #tpu.memory_space<vmem>>, vector<1x64xf32>
      tpu.vector_store %arg16[%swap3A_575, %swap3A_576], %mul3A_570 {strides = array<i32>} : memref<1000x64xf32, #tpu.memory_space<vmem>>, vector<1x64xf32>,
      %broadcast_in_dim3A_578 = vector.shape_cast %mul3A_570 : vector<1x64xf32> to vector<1x64xf32>
      %broadcast_in_dim3A_579 = vector.broadcast %broadcast_in_dim3A_578 : vector<1x64xf32> to vector<8x64xf32>
      %dot_general3A_580 = arith.constant dense<0.000000e+00> : vector<8x64xf32>
      %dot_general3A_581 = tpu.matmul %broadcast_in_dim3A_579, %slice3A, %dot_general3A_580 {dimension_numbers = #tpu.dot_dimension_numbers<[1], [0], [0], [1], [0, 0, 1, 1], [], []>, transpose_lhs_hint = false} : vector<8x64xf32>, vector<64x64xf32>, vector<8x64xf32> -> vector<8x64xf32>
      %dot_general3A_582 = arith.constant dense<0.000000e+00> : vector<8x64xf32>
      %dot_general3A_583 = tpu.matmul %broadcast_in_dim3A_579, %slice3A_80, %dot_general3A_582 {dimension_numbers = #tpu.dot_dimension_numbers<[1], [0], [0], [1], [0, 0, 1, 1], [], []>, transpose_lhs_hint = false} : vector<8x64xf32>, vector<64x64xf32>, vector<8x64xf32> -> vector<8x64xf32>
      %dot_general3A_584 = arith.constant dense<0.000000e+00> : vector<8x64xf32>
      %dot_general3A_585 = tpu.matmul %broadcast_in_dim3A_579, %slice3A_106, %dot_general3A_584 {dimension_numbers = #tpu.dot_dimension_numbers<[1], [0], [0], [1], [0, 0, 1, 1], [], []>, transpose_lhs_hint = false} : vector<8x64xf32>, vector<64x64xf32>, vector<8x64xf32> -> vector<8x64xf32>
      %dot_general3A_586 = arith.constant dense<0.000000e+00> : vector<8x64xf32>
      %dot_general3A_587 = tpu.matmul %broadcast_in_dim3A_579, %slice3A_132, %dot_general3A_586 {dimension_numbers = #tpu.dot_dimension_numbers<[1], [0], [0], [1], [0, 0, 1, 1], [], []>, transpose_lhs_hint = false} : vector<8x64xf32>, vector<64x64xf32>, vector<8x64xf32> -> vector<8x64xf32>
      %slice3A_588 = vector.extract_strided_slice %get3A_175 {offsets = [6, 0], sizes = [1, 64], strides = [1, 1]} : vector<8x64xf32> to vector<1x64xf32>
      %slice3A_589 = vector.extract_strided_slice %dot_general3A_581 {offsets = [0, 0], sizes = [1, 64], strides = [1, 1]} : vector<8x64xf32> to vector<1x64xf32>
      %add3A_590 = arith.addf %slice3A_588, %slice3A_589 : vector<1x64xf32>
      %mul3A_591 = arith.constant 5.000000e-01 : f32
      %mul3A_592 = vector.broadcast %mul3A_591 : f32 to vector<1x64xf32>
      %mul3A_593 = arith.mulf %mul3A_592, %add3A_590 : vector<1x64xf32>
      %tanh3A_594 = math.tanh %mul3A_593 : vector<1x64xf32>
      %mul3A_595 = arith.constant 5.000000e-01 : f32
      %mul3A_596 = vector.broadcast %mul3A_595 : f32 to vector<1x64xf32>
      %mul3A_597 = arith.mulf %mul3A_596, %tanh3A_594 : vector<1x64xf32>
      %add3A_598 = arith.constant 5.000000e-01 : f32
      %add3A_599 = vector.broadcast %add3A_598 : f32 to vector<1x64xf32>
      %add3A_600 = arith.addf %mul3A_597, %add3A_599 : vector<1x64xf32>
      %slice3A_601 = vector.extract_strided_slice %get3A_180 {offsets = [6, 0], sizes = [1, 64], strides = [1, 1]} : vector<8x64xf32> to vector<1x64xf32>
      %slice3A_602 = vector.extract_strided_slice %dot_general3A_583 {offsets = [0, 0], sizes = [1, 64], strides = [1, 1]} : vector<8x64xf32> to vector<1x64xf32>
      %add3A_603 = arith.addf %slice3A_601, %slice3A_602 : vector<1x64xf32>
      %mul3A_604 = arith.constant 5.000000e-01 : f32
      %mul3A_605 = vector.broadcast %mul3A_604 : f32 to vector<1x64xf32>
      %mul3A_606 = arith.mulf %mul3A_605, %add3A_603 : vector<1x64xf32>
      %tanh3A_607 = math.tanh %mul3A_606 : vector<1x64xf32>
      %mul3A_608 = arith.constant 5.000000e-01 : f32
      %mul3A_609 = vector.broadcast %mul3A_608 : f32 to vector<1x64xf32>
      %mul3A_610 = arith.mulf %mul3A_609, %tanh3A_607 : vector<1x64xf32>
      %add3A_611 = arith.constant 5.000000e-01 : f32
      %add3A_612 = vector.broadcast %add3A_611 : f32 to vector<1x64xf32>
      %add3A_613 = arith.addf %mul3A_610, %add3A_612 : vector<1x64xf32>
      %slice3A_614 = vector.extract_strided_slice %get3A_185 {offsets = [6, 0], sizes = [1, 64], strides = [1, 1]} : vector<8x64xf32> to vector<1x64xf32>
      %slice3A_615 = vector.extract_strided_slice %dot_general3A_585 {offsets = [0, 0], sizes = [1, 64], strides = [1, 1]} : vector<8x64xf32> to vector<1x64xf32>
      %add3A_616 = arith.addf %slice3A_614, %slice3A_615 : vector<1x64xf32>
      %tanh3A_617 = math.tanh %add3A_616 : vector<1x64xf32>
      %slice3A_618 = vector.extract_strided_slice %get3A_190 {offsets = [6, 0], sizes = [1, 64], strides = [1, 1]} : vector<8x64xf32> to vector<1x64xf32>
      %slice3A_619 = vector.extract_strided_slice %dot_general3A_587 {offsets = [0, 0], sizes = [1, 64], strides = [1, 1]} : vector<8x64xf32> to vector<1x64xf32>
      %add3A_620 = arith.addf %slice3A_618, %slice3A_619 : vector<1x64xf32>
      %mul3A_621 = arith.constant 5.000000e-01 : f32
      %mul3A_622 = vector.broadcast %mul3A_621 : f32 to vector<1x64xf32>
      %mul3A_623 = arith.mulf %mul3A_622, %add3A_620 : vector<1x64xf32>
      %tanh3A_624 = math.tanh %mul3A_623 : vector<1x64xf32>
      %mul3A_625 = arith.constant 5.000000e-01 : f32
      %mul3A_626 = vector.broadcast %mul3A_625 : f32 to vector<1x64xf32>
      %mul3A_627 = arith.mulf %mul3A_626, %tanh3A_624 : vector<1x64xf32>
      %add3A_628 = arith.constant 5.000000e-01 : f32
      %add3A_629 = vector.broadcast %add3A_628 : f32 to vector<1x64xf32>
      %add3A_630 = arith.addf %mul3A_627, %add3A_629 : vector<1x64xf32>
      %mul3A_631 = arith.mulf %add3A_613, %add3A_568 : vector<1x64xf32>
      %mul3A_632 = arith.mulf %add3A_600, %tanh3A_617 : vector<1x64xf32>
      %add3A_633 = arith.addf %mul3A_631, %mul3A_632 : vector<1x64xf32>
      %tanh3A_634 = math.tanh %add3A_633 : vector<1x64xf32>
      %mul3A_635 = arith.mulf %add3A_630, %tanh3A_634 : vector<1x64xf32>
      %mul3A_636 = arith.constant 8 : i32
      %mul3A_637 = arith.muli %scan3A_168, %mul3A_636 : i32
      %add3A_638 = arith.constant 6 : i32
      %add3A_639 = arith.addi %mul3A_637, %add3A_638 : i32
      %swap3A_640 = arith.index_cast %add3A_639 : i32 to index
      %swap3A_641 = arith.constant 0 : index
      %swap3A_642 = vector.load %arg16[%swap3A_640, %swap3A_641] : memref<1000x64xf32, #tpu.memory_space<vmem>>, vector<1x64xf32>
      tpu.vector_store %arg16[%swap3A_640, %swap3A_641], %mul3A_635 {strides = array<i32>} : memref<1000x64xf32, #tpu.memory_space<vmem>>, vector<1x64xf32>,
      %broadcast_in_dim3A_643 = vector.shape_cast %mul3A_635 : vector<1x64xf32> to vector<1x64xf32>
      %broadcast_in_dim3A_644 = vector.broadcast %broadcast_in_dim3A_643 : vector<1x64xf32> to vector<8x64xf32>
      %dot_general3A_645 = arith.constant dense<0.000000e+00> : vector<8x64xf32>
      %dot_general3A_646 = tpu.matmul %broadcast_in_dim3A_644, %slice3A, %dot_general3A_645 {dimension_numbers = #tpu.dot_dimension_numbers<[1], [0], [0], [1], [0, 0, 1, 1], [], []>, transpose_lhs_hint = false} : vector<8x64xf32>, vector<64x64xf32>, vector<8x64xf32> -> vector<8x64xf32>
      %dot_general3A_647 = arith.constant dense<0.000000e+00> : vector<8x64xf32>
      %dot_general3A_648 = tpu.matmul %broadcast_in_dim3A_644, %slice3A_80, %dot_general3A_647 {dimension_numbers = #tpu.dot_dimension_numbers<[1], [0], [0], [1], [0, 0, 1, 1], [], []>, transpose_lhs_hint = false} : vector<8x64xf32>, vector<64x64xf32>, vector<8x64xf32> -> vector<8x64xf32>
      %dot_general3A_649 = arith.constant dense<0.000000e+00> : vector<8x64xf32>
      %dot_general3A_650 = tpu.matmul %broadcast_in_dim3A_644, %slice3A_106, %dot_general3A_649 {dimension_numbers = #tpu.dot_dimension_numbers<[1], [0], [0], [1], [0, 0, 1, 1], [], []>, transpose_lhs_hint = false} : vector<8x64xf32>, vector<64x64xf32>, vector<8x64xf32> -> vector<8x64xf32>
      %dot_general3A_651 = arith.constant dense<0.000000e+00> : vector<8x64xf32>
      %dot_general3A_652 = tpu.matmul %broadcast_in_dim3A_644, %slice3A_132, %dot_general3A_651 {dimension_numbers = #tpu.dot_dimension_numbers<[1], [0], [0], [1], [0, 0, 1, 1], [], []>, transpose_lhs_hint = false} : vector<8x64xf32>, vector<64x64xf32>, vector<8x64xf32> -> vector<8x64xf32>
      %slice3A_653 = vector.extract_strided_slice %get3A_175 {offsets = [7, 0], sizes = [1, 64], strides = [1, 1]} : vector<8x64xf32> to vector<1x64xf32>
      %slice3A_654 = vector.extract_strided_slice %dot_general3A_646 {offsets = [0, 0], sizes = [1, 64], strides = [1, 1]} : vector<8x64xf32> to vector<1x64xf32>
      %add3A_655 = arith.addf %slice3A_653, %slice3A_654 : vector<1x64xf32>
      %mul3A_656 = arith.constant 5.000000e-01 : f32
      %mul3A_657 = vector.broadcast %mul3A_656 : f32 to vector<1x64xf32>
      %mul3A_658 = arith.mulf %mul3A_657, %add3A_655 : vector<1x64xf32>
      %tanh3A_659 = math.tanh %mul3A_658 : vector<1x64xf32>
      %mul3A_660 = arith.constant 5.000000e-01 : f32
      %mul3A_661 = vector.broadcast %mul3A_660 : f32 to vector<1x64xf32>
      %mul3A_662 = arith.mulf %mul3A_661, %tanh3A_659 : vector<1x64xf32>
      %add3A_663 = arith.constant 5.000000e-01 : f32
      %add3A_664 = vector.broadcast %add3A_663 : f32 to vector<1x64xf32>
      %add3A_665 = arith.addf %mul3A_662, %add3A_664 : vector<1x64xf32>
      %slice3A_666 = vector.extract_strided_slice %get3A_180 {offsets = [7, 0], sizes = [1, 64], strides = [1, 1]} : vector<8x64xf32> to vector<1x64xf32>
      %slice3A_667 = vector.extract_strided_slice %dot_general3A_648 {offsets = [0, 0], sizes = [1, 64], strides = [1, 1]} : vector<8x64xf32> to vector<1x64xf32>
      %add3A_668 = arith.addf %slice3A_666, %slice3A_667 : vector<1x64xf32>
      %mul3A_669 = arith.constant 5.000000e-01 : f32
      %mul3A_670 = vector.broadcast %mul3A_669 : f32 to vector<1x64xf32>
      %mul3A_671 = arith.mulf %mul3A_670, %add3A_668 : vector<1x64xf32>
      %tanh3A_672 = math.tanh %mul3A_671 : vector<1x64xf32>
      %mul3A_673 = arith.constant 5.000000e-01 : f32
      %mul3A_674 = vector.broadcast %mul3A_673 : f32 to vector<1x64xf32>
      %mul3A_675 = arith.mulf %mul3A_674, %tanh3A_672 : vector<1x64xf32>
      %add3A_676 = arith.constant 5.000000e-01 : f32
      %add3A_677 = vector.broadcast %add3A_676 : f32 to vector<1x64xf32>
      %add3A_678 = arith.addf %mul3A_675, %add3A_677 : vector<1x64xf32>
      %slice3A_679 = vector.extract_strided_slice %get3A_185 {offsets = [7, 0], sizes = [1, 64], strides = [1, 1]} : vector<8x64xf32> to vector<1x64xf32>
      %slice3A_680 = vector.extract_strided_slice %dot_general3A_650 {offsets = [0, 0], sizes = [1, 64], strides = [1, 1]} : vector<8x64xf32> to vector<1x64xf32>
      %add3A_681 = arith.addf %slice3A_679, %slice3A_680 : vector<1x64xf32>
      %tanh3A_682 = math.tanh %add3A_681 : vector<1x64xf32>
      %slice3A_683 = vector.extract_strided_slice %get3A_190 {offsets = [7, 0], sizes = [1, 64], strides = [1, 1]} : vector<8x64xf32> to vector<1x64xf32>
      %slice3A_684 = vector.extract_strided_slice %dot_general3A_652 {offsets = [0, 0], sizes = [1, 64], strides = [1, 1]} : vector<8x64xf32> to vector<1x64xf32>
      %add3A_685 = arith.addf %slice3A_683, %slice3A_684 : vector<1x64xf32>
      %mul3A_686 = arith.constant 5.000000e-01 : f32
      %mul3A_687 = vector.broadcast %mul3A_686 : f32 to vector<1x64xf32>
      %mul3A_688 = arith.mulf %mul3A_687, %add3A_685 : vector<1x64xf32>
      %tanh3A_689 = math.tanh %mul3A_688 : vector<1x64xf32>
      %mul3A_690 = arith.constant 5.000000e-01 : f32
      %mul3A_691 = vector.broadcast %mul3A_690 : f32 to vector<1x64xf32>
      %mul3A_692 = arith.mulf %mul3A_691, %tanh3A_689 : vector<1x64xf32>
      %add3A_693 = arith.constant 5.000000e-01 : f32
      %add3A_694 = vector.broadcast %add3A_693 : f32 to vector<1x64xf32>
      %add3A_695 = arith.addf %mul3A_692, %add3A_694 : vector<1x64xf32>
      %mul3A_696 = arith.mulf %add3A_678, %add3A_633 : vector<1x64xf32>
      %mul3A_697 = arith.mulf %add3A_665, %tanh3A_682 : vector<1x64xf32>
      %add3A_698 = arith.addf %mul3A_696, %mul3A_697 : vector<1x64xf32>
      %tanh3A_699 = math.tanh %add3A_698 : vector<1x64xf32>
      %mul3A_700 = arith.mulf %add3A_695, %tanh3A_699 : vector<1x64xf32>
      %mul3A_701 = arith.constant 8 : i32
      %mul3A_702 = arith.muli %scan3A_168, %mul3A_701 : i32
      %add3A_703 = arith.constant 7 : i32
      %add3A_704 = arith.addi %mul3A_702, %add3A_703 : i32
      %swap3A_705 = arith.index_cast %add3A_704 : i32 to index
      %swap3A_706 = arith.constant 0 : index
      %swap3A_707 = vector.load %arg16[%swap3A_705, %swap3A_706] : memref<1000x64xf32, #tpu.memory_space<vmem>>, vector<1x64xf32>
      tpu.vector_store %arg16[%swap3A_705, %swap3A_706], %mul3A_700 {strides = array<i32>} : memref<1000x64xf32, #tpu.memory_space<vmem>>, vector<1x64xf32>,
      %broadcast_in_dim3A_708 = vector.shape_cast %mul3A_700 : vector<1x64xf32> to vector<1x64xf32>
      %broadcast_in_dim3A_709 = vector.broadcast %broadcast_in_dim3A_708 : vector<1x64xf32> to vector<8x64xf32>
      scf.yield %broadcast_in_dim3A_709, %add3A_698 : vector<8x64xf32>, vector<1x64xf32>
    }
    %scan3A_144 = arith.constant 125 : i32
    %slice3A_145 = vector.extract_strided_slice %scan3A_143#0 {offsets = [0, 0], sizes = [1, 64], strides = [1, 1]} : vector<8x64xf32> to vector<1x64xf32>
    %swap3A_146 = arith.constant 0 : index
    %swap3A_147 = arith.constant 0 : index
    %swap3A_148 = vector.load %arg14[%swap3A_146, %swap3A_147] : memref<1x64xf32, #tpu.memory_space<vmem>>, vector<1x64xf32>
    tpu.vector_store %arg14[%swap3A_146, %swap3A_147], %slice3A_145 {strides = array<i32>} : memref<1x64xf32, #tpu.memory_space<vmem>>, vector<1x64xf32>,
    %swap3A_149 = arith.constant 0 : index
    %swap3A_150 = arith.constant 0 : index
    %swap3A_151 = vector.load %arg15[%swap3A_149, %swap3A_150] : memref<1x64xf32, #tpu.memory_space<vmem>>, vector<1x64xf32>
    tpu.vector_store %arg15[%swap3A_149, %swap3A_150], %scan3A_143#1 {strides = array<i32>} : memref<1x64xf32, #tpu.memory_space<vmem>>, vector<1x64xf32>,
    %get3A_152 = arith.constant 0 : index
    %get3A_153 = arith.constant 0 : index
    %get3A_154 = vector.load %arg16[%get3A_152, %get3A_153] : memref<1000x64xf32, #tpu.memory_space<vmem>>, vector<1000x64xf32>
    %get3A_155 = arith.constant 0 : index
    %get3A_156 = arith.constant 0 : index
    %get3A_157 = vector.load %arg11[%get3A_155, %get3A_156] : memref<64x1xf32, #tpu.memory_space<vmem>>, vector<64x1xf32>
    %dot_general3A_158 = arith.constant dense<0.000000e+00> : vector<1000x1xf32>
    %dot_general3A_159 = tpu.matmul %get3A_154, %get3A_157, %dot_general3A_158 {dimension_numbers = #tpu.dot_dimension_numbers<[1], [0], [0], [1], [0, 0, 1, 1], [], []>, transpose_lhs_hint = false} : vector<1000x64xf32>, vector<64x1xf32>, vector<1000x1xf32> -> vector<1000x1xf32>
    %get3A_160 = arith.constant 0 : index
    %get3A_161 = arith.constant 0 : index
    %get3A_162 = vector.load %arg12[%get3A_160, %get3A_161] : memref<1x1xf32, #tpu.memory_space<vmem>>, vector<1x1xf32>
    %add3A_163 = vector.broadcast %get3A_162 : vector<1x1xf32> to vector<1000x1xf32>
    %add3A_164 = arith.addf %dot_general3A_159, %add3A_163 : vector<1000x1xf32>
    %swap3A_165 = arith.constant 0 : index
    %swap3A_166 = arith.constant 0 : index
    %swap3A_167 = vector.load %arg13[%swap3A_165, %swap3A_166] : memref<1000x1xf32, #tpu.memory_space<vmem>>, vector<1000x1xf32>
    tpu.vector_store %arg13[%swap3A_165, %swap3A_166], %add3A_164 {strides = array<i32>} : memref<1000x1xf32, #tpu.memory_space<vmem>>, vector<1000x1xf32>,
    return
  }
  func.func @transform_0(%arg0: i32) -> (i32, i32) {
    %c0_i32 = arith.constant 0 : i32
    %c0_i32_0 = arith.constant 0 : i32
    return %arg0, %c0_i32 : i32, i32
  }
  func.func @transform_1(%arg0: i32) -> (i32, i32) {
    %c0_i32 = arith.constant 0 : i32
    %c0_i32_0 = arith.constant 0 : i32
    return %arg0, %c0_i32 : i32, i32
  }
  func.func @transform_2(%arg0: i32) -> (i32, i32) {
    %c0_i32 = arith.constant 0 : i32
    %c0_i32_0 = arith.constant 0 : i32
    return %arg0, %c0_i32 : i32, i32
  }
  func.func @transform_3(%arg0: i32) -> (i32, i32) {
    %c0_i32 = arith.constant 0 : i32
    %c0_i32_0 = arith.constant 0 : i32
    %c0_i32_1 = arith.constant 0 : i32
    return %c0_i32, %c0_i32_0 : i32, i32
  }
  func.func @transform_4(%arg0: i32) -> (i32, i32) {
    %c0_i32 = arith.constant 0 : i32
    %c0_i32_0 = arith.constant 0 : i32
    %c0_i32_1 = arith.constant 0 : i32
    return %c0_i32, %c0_i32_0 : i32, i32
  }
  func.func @transform_5(%arg0: i32) -> (i32, i32) {
    %c0_i32 = arith.constant 0 : i32
    %c0_i32_0 = arith.constant 0 : i32
    %c0_i32_1 = arith.constant 0 : i32
    return %c0_i32, %c0_i32_0 : i32, i32
  }
  func.func @transform_6(%arg0: i32) -> (i32, i32) {
    %c0_i32 = arith.constant 0 : i32
    %c0_i32_0 = arith.constant 0 : i32
    %c0_i32_1 = arith.constant 0 : i32
    return %c0_i32, %c0_i32_0 : i32, i32
  }
  func.func @transform_7(%arg0: i32) -> (i32, i32) {
    %c0_i32 = arith.constant 0 : i32
    %c0_i32_0 = arith.constant 0 : i32
    %c0_i32_1 = arith.constant 0 : i32
    return %c0_i32, %c0_i32_0 : i32, i32
  }
  func.func @transform_8(%arg0: i32) -> (i32, i32) {
    %c0_i32 = arith.constant 0 : i32
    %c0_i32_0 = arith.constant 0 : i32
    %c0_i32_1 = arith.constant 0 : i32
    return %c0_i32, %c0_i32_0 : i32, i32
  }
  func.func @transform_9(%arg0: i32) -> (i32, i32) {
    %c0_i32 = arith.constant 0 : i32
    %c0_i32_0 = arith.constant 0 : i32
    %c0_i32_1 = arith.constant 0 : i32
    return %c0_i32, %c0_i32_0 : i32, i32
  }
  func.func @transform_10(%arg0: i32) -> (i32, i32) {
    %c0_i32 = arith.constant 0 : i32
    %c0_i32_0 = arith.constant 0 : i32
    %c0_i32_1 = arith.constant 0 : i32
    return %c0_i32, %c0_i32_0 : i32, i32
  }
  func.func @transform_11(%arg0: i32) -> (i32, i32) {
    %c0_i32 = arith.constant 0 : i32
    %c0_i32_0 = arith.constant 0 : i32
    %c0_i32_1 = arith.constant 0 : i32
    return %c0_i32, %c0_i32_0 : i32, i32
  }
  func.func @transform_12(%arg0: i32) -> (i32, i32) {
    %c0_i32 = arith.constant 0 : i32
    %c0_i32_0 = arith.constant 0 : i32
    return %arg0, %c0_i32 : i32, i32
  }
}

</mosaic_0001>

<sc_bundles>
// kernel: scatter_offload_async_start.1
scs
__scs_entry_jumppad:
0x0: {  	(pc) =	sbr.rel $0x88, $3  }
0x1: {  	(tag) =	ssettag $0x0;
	lr =	simm.s32 $0x1  }
0x2: {  	[smem:$0x3F96] =	sst lr;
	_ =	strace $0xD0000000  }
0x3: {  	_ = 	snop  }
0x4: {  	_ = 	snop  }
0x5: {  	_ = 	snop  }
0x6: {  	_ = 	snop  }
0x7: {  	_ = 	snop  }
__scs_overlays_trampoline_lowered:
0x8: {  	[smem:$0x3FA5] =	sst s0  }
0x9: {  	[smem:$0x3FA6] =	sst s1  }
0xa: {  	[smem:$0x3FA7] =	sst s2  }
0xb: {  	[smem:$0x3FA8] =	sst s3  }
0xc: {  	[smem:$0x3FA9] =	sst s4  }
0xd: {  	[smem:$0x3FAA] =	sst s5  }
0xe: {  	[smem:$0x3FAB] =	sst s6  }
0xf: {  	[smem:$0x3FAC] =	sst s7  }
0x10: {  	[smem:$0x3FAD] =	sst s8  }
0x11: {  	[smem:$0x3FAE] =	sst s9;
	s0 =	simm.s32 @!p0 $0x0  }
0x12: {  	s1 =	sld [smem:$0x3F94];
	s0 =	simm.s32 @p0 $0x1  }
0x13: {  	[smem:$0x3FAF] =	sst s0;
	s0 =	simm.s32 @!p1 $0x0  }
0x14: {  	s2 =	sld [smem:$0x3F93];
	s0 =	simm.s32 @p1 $0x1  }
0x15: {  	[smem:$0x3FB0] =	sst s0;
	s0 =	simm.s32 @!p2 $0x0  }
0x16: {  	s3 =	sld [smem:$0x3FDB];
	s0 =	simm.s32 @p2 $0x1  }
0x17: {  	s4 =	simm.s32 $0x1BF5;
	[smem:$0x3FB2] =	sst s0  }
0x18: {  	s0 =	sld [smem:$0x3F95];
	_ =	swait.ge [sflag:s4], $0x0  }
0x19: {  	s7 =	sld [smem:$0x3F96]  }
0x1a: {  	s8 =	sadd.s32 $0xFFFFE003, lr  }
0x1b: {  	s9 =	sadd.s32 $0xFFFFFEF7, lr;
	s5 =	simm.s32 $0xFFFFFFFF;
	p2 =	slt.u32 s8, $0xFFFFF086  }
0x1c: {  	p1 =	slt.u32 s9, $0xF7A;
	s5 =	simm.s32 @!p2 $0x0  }
0x1d: {  	s5 =	simm.s32 @p1 $0x1;
	p0 =	seq.s32 s7, s2  }
0x1e: {  	s7 =	smul.u32 @!p0 $0xF7A, s2;
	p2 =	seq.s32 @!p0 s5, $0x0  }
0x1f: {  	s9 =	smul.u32 $0xF7A, s1;
	s8 =	simm.s32 @!p0 $0x1BF5;
	p2 =	por !p2, p0  }
0x20: {  	[sflag:s8] =	ssyncset.s32 @!p0 $0xFFFFF086;
	s6 =	sadd.s32 @!p0 s3, s7;
	s7 =	simm.s32 @!p0 $0x108  }
0x21: {  	s3 =	sadd.s32 s3, s9;
	s6 =	sadd.s32 @!p0 $0x88, s6;
	s7 =	simm.s32 @p2 $0x1082  }
0x22: {  	[simem:s7], [sflag:s8] =	dma.local @!p0 [hbm:s6], $0xF7A  }
0x23: {  	s9 =	sor.u32 $0xD0000000, s2;
	s6 =	simm.s32 $0x108;
	_ =	swait.ge @!p0 [sflag:s8], $0x0  }
0x24: {  	s3 =	sadd.s32 $0x88, s3;
	s6 =	simm.s32 @!p1 $0x1082;
	[sflag:s4] =	ssyncset.s32 $0xFFFFF086  }
0x25: {  	[simem:s6], [sflag:s4] =	dma.local [hbm:s3], $0xF7A  }
0x26: {  	[smem:$0x3F96] =	sst s1;
	(tag) =	ssettag s2;
	_ =	strace s9  }
0x27: {  	s1 =	sld [smem:$0x3FA6]  }
0x28: {  	s2 =	sld [smem:$0x3FA7]  }
0x29: {  	s4 =	sld [smem:$0x3FA9]  }
0x2a: {  	p0 =	seq.s32 s5, $0x0;
	s5 =	sld [smem:$0x3FAA]  }
0x2b: {  	s6 =	sld [smem:$0x3FAB]  }
0x2c: {  	s7 =	sld [smem:$0x3FAC]  }
0x2d: {  	s3 =	simm.s32 $0x108;
	s8 =	sld [smem:$0x3FAD]  }
0x2e: {  	s3 =	simm.s32 @!p0 $0x1082;
	s9 =	sld [smem:$0x3FAE]  }
0x2f: {  	lr =	sadd.s32 s0, s3;
	s0 =	sld [smem:$0x3FA5]  }
0x30: {  	s3 =	sld [smem:$0x3FA8]  }
0x31: {  	[smem:$0x3FB1] =	sst s10  }
0x32: {  	s10 =	sld [smem:$0x3FAF];
	_ =	sdelay $0x3  }
0x33: {  	p0 =	seq.s32 s10, $0x1;
	s10 =	sld [smem:$0x3FB1];
	_ =	sdelay $0x3  }
0x34: {  	[smem:$0x3FB1] =	sst s10  }
0x35: {  	s10 =	sld [smem:$0x3FB0];
	_ =	sdelay $0x3  }
0x36: {  	p1 =	seq.s32 s10, $0x1;
	s10 =	sld [smem:$0x3FB1];
	_ =	sdelay $0x3  }
0x37: {  	[smem:$0x3FB1] =	sst s10  }
0x38: {  	s10 =	sld [smem:$0x3FB2]  }
0x39: {  	_ = 	snop;
	(pc) =	sbr.ind lr, $3  }
0x3a: {  	_ = 	snop  }
0x3b: {  	_ = 	snop  }
0x3c: {  	p2 =	seq.s32 s10, $0x1;
	s10 =	sld [smem:$0x3FB1]  }
0x3d: {  	_ =	shalt  }
0x3e: {  	_ =	shalt  }
0x3f: {  	_ =	shalt  }
0x40: {  	_ =	shalt  }
0x41: {  	_ =	shalt  }
0x42: {  	_ =	shalt  }
0x43: {  	_ =	shalt  }
0x44: {  	_ =	shalt  }
0x45: {  	_ =	shalt  }
0x46: {  	_ =	shalt  }
0x47: {  	_ =	shalt  }
0x48: {  	_ =	shalt  }
0x49: {  	_ =	shalt  }
0x4a: {  	_ =	shalt  }
0x4b: {  	_ =	shalt  }
0x4c: {  	_ =	shalt  }
0x4d: {  	_ =	shalt  }
0x4e: {  	_ =	shalt  }
0x4f: {  	_ =	shalt  }
0x50: {  	_ =	shalt  }
0x51: {  	_ =	shalt  }
0x52: {  	_ =	shalt  }
0x53: {  	_ =	shalt  }
0x54: {  	_ =	shalt  }
0x55: {  	_ =	shalt  }
0x56: {  	_ =	shalt  }
0x57: {  	_ =	shalt  }
0x58: {  	_ =	shalt  }
0x59: {  	_ =	shalt  }
0x5a: {  	_ =	shalt  }
0x5b: {  	_ =	shalt  }
0x5c: {  	_ =	shalt  }
0x5d: {  	_ =	shalt  }
0x5e: {  	_ =	shalt  }
0x5f: {  	_ =	shalt  }
0x60: {  	_ =	shalt  }
0x61: {  	_ =	shalt  }
0x62: {  	_ =	shalt  }
0x63: {  	_ =	shalt  }
0x64: {  	_ =	shalt  }
0x65: {  	_ =	shalt  }
0x66: {  	_ =	shalt  }
0x67: {  	_ =	shalt  }
0x68: {  	_ =	shalt  }
0x69: {  	_ =	shalt  }
0x6a: {  	_ =	shalt  }
0x6b: {  	_ =	shalt  }
0x6c: {  	_ =	shalt  }
0x6d: {  	_ =	shalt  }
0x6e: {  	_ =	shalt  }
0x6f: {  	_ =	shalt  }
0x70: {  	_ =	shalt  }
0x71: {  	_ =	shalt  }
0x72: {  	_ =	shalt  }
0x73: {  	_ =	shalt  }
0x74: {  	_ =	shalt  }
0x75: {  	_ =	shalt  }
0x76: {  	_ =	shalt  }
0x77: {  	_ =	shalt  }
0x78: {  	_ =	shalt  }
0x79: {  	_ =	shalt  }
0x7a: {  	_ =	shalt  }
0x7b: {  	_ =	shalt  }
0x7c: {  	_ =	shalt  }
0x7d: {  	_ =	shalt  }
0x7e: {  	_ =	shalt  }
0x7f: {  	_ =	shalt  }
0x80: {  	_ =	shalt  }
0x81: {  	_ =	shalt  }
0x82: {  	_ =	shalt  }
0x83: {  	_ =	shalt  }
0x84: {  	_ =	shalt  }
0x85: {  	_ =	shalt  }
0x86: {  	_ =	shalt  }
0x87: {  	_ =	shalt  }
.Lfunc_end0:
.L_simem_size_0:
called_computation.1_lowered:
.L_overlay_start_0:
0x88: {  	s0 =	sld [smem:$0x3FD9]  }
0x89: {  	s1 =	sld [smem:$0x3FFE];
	_ =	sdelay $0x3  }
0x8a: {  	s0 =	sadd.s32 s1, s0  }
0x8b: {  	[smem:$0x3FBD] =	sst s0  }
0x8c: {  	_ = 	snop  }
0x8d: {  	s0 =	sld [smem:$0x3FD0];
	(tm) =	ssettm $0x1  }
0x8e: {  	s16 =	sld [smem:$0x3FFB];
	_ =	sdelay $0x3  }
0x8f: {  	_ =	strace s16  }
0x90: {  	s1 =	sld [smem:$0x3FFC];
	_ =	sdelay $0x3  }
0x91: {  	_ =	strace s1  }
0x92: {  	s1 =	sld [smem:$0x3FFD];
	_ =	sdelay $0x3  }
0x93: {  	_ =	strace s1  }
0x94: {  	_ =	strace $0x8FFFFFFF  }
0x95: {  	s17 =	sld [smem:$0x3FDB];
	_ =	sdelay $0x1  }
0x96: {  	s2 =	simm.s32 $_scs_section_size  }
0x97: {  	s3 =	simm.s32 $_size__tile_overlayer_lowered;
	s4 =	simm.s32 $_tile_overlayer_lowered  }
0x98: {  	s20 =	simm.s32 $0x1BFF;
	s19 =	sshll.u32 s4, $0x1;
	s1 =	sadd.s32 s2, s17  }
0x99: {  	s5 =	simm.s32 $0x0;
	s18 =	sshll.u32 s3, $0x1;
	s3 =	sadd.s32 s19, s1  }
0x9a: {  	[timem:s5], [sflag:s20] =	dma.local [hbm:s3], s18  }
0x9b: {  	_ =	swait.ge [sflag:s20], s18  }
0x9c: {  	s2 =	ssub.s32 $0x0, s18;
	[sflag:s20] =	ssyncset.done $0x0  }
0x9d: {  	[sflag:s20] =	ssyncadd.s32 s2;
	_ =	sdelay $0x1  }
0x9e: {  	s21 =	simm.s32 $0x1B8B  }
0x9f: {  	_ =	swait.ge [sflag:s21], $0x1  }
0xa0: {  	[sflag:s21] =	ssyncset.done $0x0  }
0xa1: {  	s23 =	simm.s32 $0x1B8E;
	s22 =	sld [smem:$0x3FFE];
	[sflag:s21] =	ssyncadd.s32 $0xFFFFFFFF  }
0xa2: {  	s24 =	simm.s32 $execute0_lowered;
	[smem:$0x3FD2] =	sst s23  }
0xa3: {  	s3 =	sshll.u32 s24, $0x1;
	_ =	strace $0x80000049;
	[dreg:$0x1] =	wrdreg $0xFFFFFFFF  }
0xa4: {  	s25 =	simm.s32 $_size_execute0_lowered;
	s1 =	sadd.s32 s1, s3;
	[dreg:$0x0] =	wrdreg $0x0  }
0xa5: {  	s3 =	sshll.u32 s25, $0x1;
	[dreg:$0x2] =	wrdreg s1  }
0xa6: {  	[dreg:$0x3] =	wrdreg s3  }
0xa7: {  	[dreg:$0x4] =	wrdreg $0xC0  }
0xa8: {  	_ =	task [dreg:s5], $0x5FFFF  }
0xa9: {  	[dreg:$0x1] =	wrdreg $0xFFFFFFFF  }
0xaa: {  	[dreg:$0x0] =	wrdreg $0x60  }
0xab: {  	[dreg:$0x2] =	wrdreg s22  }
0xac: {  	[dreg:$0x3] =	wrdreg s0  }
0xad: {  	[dreg:$0x4] =	wrdreg $0x9  }
0xae: {  	_ =	task.clear_ibuf [dreg:s5], $0x5FFFF;
	_ =	strace $0x90000049  }
0xaf: {  	s26 =	simm.s32 $0x9;
	_ =	strace $0x8000004B  }
0xb0: {  	_ =	swait.ge [sflag:s26], $0x1  }
0xb1: {  	[sflag:s26] =	ssyncadd.s32 $0xFFFFFFFF  }
0xb2: {  	_ =	strace $0x9000004B  }
0xb3: {  	_ =	sfence  }
0xb4: {  	s28 =	sld [smem:$0x0];
	_ =	sdelay $0x1  }
0xb5: {  	s29 =	srdreg.scid  }
0xb6: {  	s30 =	sshll.u32 s29, $0xD;
	s31 =	sshrl.u32 s29, $0x2  }
0xb7: {  	s2 =	sand.u32 $0x4000, s30;
	s1 =	sand.u32 $0x1, s29;
	s0 =	sadd.s32 s31, s28  }
0xb8: {  	s1 =	sor.u32 s2, s1;
	s0 =	sshll.u32 s0, $0x11  }
0xb9: {  	s0 =	sor.u32 s0, s1  }
0xba: {  	s0 =	sadd.s32 $0x8F2B, s0  }
0xbb: {  	[sflag:s0] =	ssyncadd.remote.s32 $0x1  }
0xbc: {  	_ =	sfence.sel $0xFFFF  }
0xbd: {  	[dreg:$0x0] =	wrdreg $0xFFFFFFFF;
	(pc) =	sbr.abs _section_cstart, $3  }
0xbe: {  	[dreg:$0x1] =	wrdreg $0xFFFFFFFF  }
0xbf: {  	_ =	task.clear_ibuf [dreg:s5], $0x2FFFF;
	_ =	strace $0x9FFFFFFF  }
0xc0: {  	(tm) =	ssettm $0x7FFFFFFF  }
0xc1: {  	_ =	shalt  }
tec
execute0_lowered:
.L_overlay_start_1:
0x0: {  	(tag) =	ssettag $0x1  }
0x1: {  	s0 =	rddreg [dreg:$0x0]  }
0x2: {  	s3 =	rddreg [dreg:$0x1];
	s14 =	stileid.u32  }
0x3: {  	_ =	strace $0x8000004A;
	s2 =	simm.s32 $0x1;
	s1 =	smin.u32 s14, $0x4  }
0x4: {  	v1 =	vimm.s32 $0xFFFFFFFF;
	[sflag:s2] =	ssyncpa.u1 $0x0;
	s1 =	sadd.s32 s14, s1  }
0x5: {  	p0 =	slt.u32 s14, $0x4;
	[tilespmem:$0x10] =	vst v1;
	s4 =	smul.u32 $0x1F40, s1;
	s1 =	simm.s32 $0x3E80  }
0x6: {  	v0 =	vimm.f32 $0.0e+00;
	[tilespmem:$0x20] =	vst v1;
	s1 =	simm.s32 @!p0 $0x1F40  }
0x7: {  	[tilespmem:$0x30] =	vst v0;
	s1 =	sadd.s32 s1, s4  }
0x8: {  	[tilespmem:$0x40] =	vst v0;
	s5 =	smin.u32 s1, $0x27100  }
0x9: {  	[tilespmem:$0x50] =	vst v0;
	s9 =	ssub.s32 s5, s4  }
0xa: {  	s7 =	simm.s32 $0x2;
	[tilespmem:$0x60] =	vst v1;
	p0 =	sgt.s32 s9, $0x0  }
0xb: {  	s8 =	simm.s32 $0x8;
	s31 =	simm.s32 $0x9;
	[tilespmem:$0x70] =	vst v1;
	s9 =	simm.s32 @!p0 $0x0  }
0xc: {  	s16 =	simm.s32 $0x0;
	s17 =	simm.s32 $0xF0;
	[tilespmem:$0x80] =	vst v1;
	s30 =	smulhi.u32 $0x10624DD3, s9  }
0xd: {  	s18 =	simm.s32 $0xFFFFFFFF;
	s19 =	simm.s32 $0xFFFFC280;
	s20 =	simm.s32 $0xFFFFFFFE;
	v1 =	vimm.s32 $0x0;
	[tilespmem:$0xB0] =	vst v0  }
0xe: {  	s21 =	simm.s32 $0xF;
	s25 =	simm.s32 $0x0;
	[tilespmem:$0x90] =	vst v1;
	s10 =	sshrl.u32 s30, $0x9  }
0xf: {  	[tilespmem:$0xA0] =	vst v1;
	[sflag:s7] =	ssyncpa.u1 $0x0;
	s7 =	simm.s32 $0x7;
	s11 =	smul.u32 $0x1F40, s10  }
0x10: {  	s24 =	simm.s32 $0x0;
	s6 =	sadd.s32 $0xBA00, s0;
	[sflag:s7] =	ssyncpa.u1 $0x0  }
.Ltmp0:
0x11: {  	[sflag:s8] =	ssyncpa.u1 $0x0;
	p0 =	sne.s32 s9, s11;
	(pc) =	sbr.rel .LBB2_1-.Ltmp0, $4  }
0x12: {  	s23 =	smov.u32 s4;
	s1 =	sadd.s32 $0x10A00, s0;
	s2 =	simm.s32 @!p0 $0x0  }
0x13: {  	[sflag:s31] =	ssyncpa.u1 $0x0;
	p0 =	por $0x0, $0x0;
	s9 =	sadd.s32 s2, s10  }
0x14: {  	vm0 =	vmmov $0xffff;
	v2 =	vlaneseq.u32;
	s10 =	sshll.u32 s14, $0x1;
	s14 =	sshllo.u32 s14, $0x1;
	s11 =	sadd.s32 $0x1, s9  }
0x15: {  	vm1 =	vmxor vm1, vm1;
	vm2 =	vmmov $0x1;
	vm3 =	vcmask $0x3F3C;
	s12 =	sadd.s32 $0x2, s9;
	s13 =	sor.u32 $0x81, s10;
	s15 =	sor.u32 $0x80, s10  }
.LBB2_9:
0x16: {  	p1 =	slt.u32 s24, $0x3  }
0x17: {  	s0 =	simm.s32 @!p1 $0x2  }
0x18: {  	_ =	swait.ge @!p1 [sflag:s0], $0x1F40  }
0x19: {  	[sflag:s0] =	ssyncset.done @!p1 $0x0  }
0x1a: {  	[sflag:s0] =	ssyncadd.s32 @!p1 $0xFFFFE0C0;
	s0 =	simm.s32 @!p1 $0x9  }
0x1b: {  	_ =	swait.ge @!p1 [sflag:s0], $0x10  }
0x1c: {  	[sflag:s0] =	ssyncset.done @!p1 $0x0  }
0x1d: {  	[sflag:s0] =	ssyncadd.s32 @!p1 $0xFFFFFFF0;
	p1 =	sne.s32 s24, s12  }
.Ltmp1:
0x1e: {  	s2 =	sadd.s32 $0x1F40, s23;
	(pc) =	sbr.rel @!p1 .LBB2_10-.Ltmp1, $4  }
0x1f: {  	s22 =	smov.u32 s4;
	s31 =	sadd.s32 $0x1, s24;
	s17 =	sadd.s32 $0x1F40, s17  }
0x20: {  	s18 =	sadd.s32 $0x1, s18;
	s25 =	smov.u32 s23;
	p2 =	slt.s32 s2, s5  }
0x21: {  	p0 =	por !p0, !p0;
	s19 =	sadd.s32 $0x1F40, s19;
	s22 =	smov.u32 @p2 s2  }
0x22: {  	s20 =	sadd.s32 $0x1, s20;
	s23 =	smov.u32 s22;
	s24 =	smov.u32 s31  }
.LBB2_1:
0x23: {  	p1 =	sge.u32 s24, s9  }
0x24: {  	s0 =	smulhi.u32 @!p1 $0xAAAAAAAB, s24;
	_ =	sdelay $0x1  }
0x25: {  	s0 =	sshrl.u32 @!p1 s0, $0x1  }
0x26: {  	s0 =	smul.u32 @!p1 $0x3, s0;
	_ =	sdelay $0x1  }
0x27: {  	s0 =	ssub.s32 @!p1 s24, s0  }
0x28: {  	s0 =	smul.u32 @!p1 $0x7D00, s0;
	_ =	sdelay $0x1  }
0x29: {  	s2 =	sshrl.u32 @!p1 s23, $0x3;
	s0 =	sshrl.u32 @!p1 s0, $0x2  }
0x2a: {  	s22 =	sand.u32 @!p1 $0x7, s23;
	s2 =	sadd.s32 @!p1 s3, s2;
	s0 =	sadd.s32 @!p1 $0x100, s0  }
0x2b: {  	[tilespmem:s0], [sflag:$0x7] =	stream.linear.gather @!p1 [hbm4b:s2+s22], $0x1F40, $0x38;
	[tilespmem:$0x11A60] =	vst v63  }
0x2c: {  	s0 =	sadd.s32 $0xFFFFFFFF, s24  }
0x2d: {  	p1 =	sge.u32 s0, s9  }
.Ltmp2:
0x2e: {  	_ = 	snop;
	(pc) =	sbr.rel @p1 .LBB2_5-.Ltmp2, $1  }
0x2f: {  	_ =	sdelay $0x3  }
0x30: {  	s2 =	smulhi.u32 $0xAAAAAAAB, s0;
	_ =	sdelay $0x1  }
0x31: {  	s2 =	sshrl.u32 s2, $0x1  }
0x32: {  	s2 =	smul.u32 $0x3, s2;
	_ =	sdelay $0x1  }
0x33: {  	s2 =	ssub.s32 s0, s2  }
0x34: {  	s2 =	smul.u32 $0x7D00, s2  }
0x35: {  	_ =	swait.ge [sflag:s7], $0x1F40  }
0x36: {  	[sflag:s7] =	ssyncset.done $0x0;
	s2 =	sshrl.u32 s2, $0x2  }
0x37: {  	[sflag:s7] =	ssyncadd.s32 $0xFFFFE0C0;
	(ifvalue) =	ssetifvalue $0xFFFFFFFF;
	v3 =	vld.msk [tilespmem:s2+$0x100 ss:$0x1], $0xffff;
	_ =	sdelay $0x2  }
0x38: {  	s30 =	smulhi.u32 $0xAAAAAAAB, s18;
	p1 =	sne.s32 s24, $0x1  }
0x39: {  	v4 =	vimm.s32 @!p1 $0x0  }
0x3a: {  	s2 =	sshrl.u32 s30, $0x1;
	v4 =	vperm.xlane @!p1 v3, v4  }
0x3b: {  	s22 =	sshll.u32 s24, $0x4;
	s2 =	smul.u32 $0xFFFE8900, s2;
	vm4 =	vlt.u32 v3, $0x2800  }
0x3c: {  	s22 =	sand.u32 $0x10, s22;
	v3 =	vnsel vm4, $0xFFFFFFFE, v3;
	vm4 =	vlt.u32 @!p1 v4, $0x2800  }
0x3d: {  	s2 =	sshra.s32 s2, $0x2;
	[tilespmem:s22+$0x60] =	vst v3;
	v3 =	vnsel @!p1 vm4, $0xFFFFFFFE, v4  }
0x3e: {  	s28 =	sadd.s32 s2, s17;
	[tilespmem:$0x80] =	vst @!p1 v3  }
0x3f: {  	v3 =	vld.msk [tilespmem:s28+$0x0 ss:$0x1], $0xffff;
	_ =	sdelay $0x4  }
0x40: {  	(xrf1) =	vunique.msk.u32 $0xffff, v3;
	_ =	sdelay $0xd  }
0x41: {  	v4 =	vimm.s32 $0xFFFFFFFF;
	v5, _, _ =	vpop (xrf1)  }
0x42: {  	vm5 =	vne.s32 v3, v4;
	vm4 =	veq.s32 v5, v2  }
0x43: {  	vm6 =	vlt.u32 v3, $0x2800;
	vm4 =	vmand vm5, vm4  }
0x44: {  	vm4 =	vmand vm6, vm4  }
0x45: {  	v4 =	vnsel vm4, $0xFFFFFFFF, v3  }
0x46: {  	s31 =	sand.u32 $0x1, s0  }
0x47: {  	s0 =	simm.s32 $0x1F40;
	p1 =	seq.s32 s31, $0x1  }
0x48: {  	s0 =	simm.s32 @!p1 $0x0  }
0x49: {  	s26 =	sadd.s32 $0x7DF0, s0;
	(ifvalue) =	ssetifvalue $0xFFFFFFFF  }
0x4a: {  	v3 =	vperm.xlane v3, v1;
	[tilespmem:s26], [sflag:$0x8] =	stream.indirect_vreg.gather [hbm4b:s1+s16], $0x1, v4, vm0, $0x4038;
	v4 =	vnsel vm6, $0xFFFFFFFE, v4;
	[tilespmem:$0x11A60] =	vst v63  }
0x4b: {  	s2 =	simm.s32 $0x0;
	s22 =	sadd.s32 $0xFFFFFFF0, s28;
	[tilespmem:s28+$0x0] =	vst v4  }
.LBB2_3:
0x4c: {  	v4 =	vld.msk [tilespmem:s22+$0x0 ss:$0x1], $0xffff;
	s2 =	sadd.s32 $0x10, s2;
	v5 =	vmov v3;
	s28 =	smov.u32 s22  }
0x4d: {  	p1 =	slt.u32 s2, $0x1F30;
	_ =	sdelay $0x4  }
0x4e: {  	v3 =	vperm.xlane v4, v1;
	(xrf1) =	vunique.msk.u32 $0xffff, v4;
	_ =	sdelay $0xd  }
0x4f: {  	v6, _, _ =	vpop (xrf1)  }
0x50: {  	vm5 =	vne.s32 v4, v5;
	vm4 =	veq.s32 v6, v2  }
0x51: {  	vm6 =	vlt.u32 v4, $0x2800;
	vm4 =	vmand vm5, vm4  }
0x52: {  	vm4 =	vmand vm6, vm4  }
0x53: {  	v4 =	vnsel vm4, $0xFFFFFFFF, v4  }
.Ltmp3:
0x54: {  	v5 =	vnsel vm6, $0xFFFFFFFE, v4;
	(pc) =	sbr.rel @p1 .LBB2_3-.Ltmp3, $3  }
0x55: {  	_ =	sdelay $0x1  }
0x56: {  	s22 =	sadd.s32 $0xFFFFFFF0, s22;
	s26 =	sadd.s32 $0xFFFFFFF0, s26;
	(ifvalue) =	ssetifvalue $0xFFFFFFFF  }
0x57: {  	[tilespmem:s26], [sflag:$0x8] =	stream.indirect_vreg.gather [hbm4b:s1+s16], $0x1, v4, vm0, $0x4038;
	[tilespmem:s28+$0x0] =	vst v5  }
0x58: {  	s2 =	sshrl.u32 s25, $0x3  }
0x59: {  	s0 =	sadd.s32 $0x9D40, s0;
	s2 =	sadd.s32 s6, s2  }
0x5a: {  	[tilespmem:s0], [sflag:$0x8] =	stream.linear.gather [hbm:s2], $0x1F40, $0x38;
	[tilespmem:$0x11A60] =	vst v63  }
.LBB2_5:
0x5b: {  	p1 =	slt.u32 s24, $0x2  }
0x5c: {  	p2 =	sge.u32 @!p1 s24, s12  }
0x5d: {  	p1 =	por p1, p2  }
.Ltmp4:
0x5e: {  	_ = 	snop;
	(pc) =	sbr.rel @p1 .LBB2_9-.Ltmp4, $1  }
0x5f: {  	_ =	sdelay $0x3  }
0x60: {  	s0 =	sadd.s32 $0xFFFFFFFE, s24  }
0x61: {  	s2 =	smulhi.u32 $0xAAAAAAAB, s0;
	_ =	sdelay $0x1  }
0x62: {  	s2 =	sshrl.u32 s2, $0x1  }
0x63: {  	s2 =	smul.u32 $0x3, s2;
	_ =	sdelay $0x1  }
0x64: {  	s0 =	ssub.s32 s0, s2  }
0x65: {  	_ =	swait.ge [sflag:s8], $0x3E80;
	s0 =	smul.u32 $0x1F40, s0  }
0x66: {  	p1 =	sne.s32 s24, s11;
	[sflag:s8] =	ssyncset.done $0x0  }
0x67: {  	[sflag:s8] =	ssyncadd.s32 $0xFFFFC180;
	s2 =	sadd.s32 @!p1 $0x203F, s0  }
0x68: {  	[spmem:s13] =	stream.linear.scatter @!p1 [tilespmem:s2], [sflag:$0x1], $0x1, $0x38;
	[tilespmem:$0x11A60] =	vst v63  }
0x69: {  	s2 =	simm.s32 @!p1 $0x1  }
0x6a: {  	_ =	swait.ge @!p1 [sflag:s2], $0x1  }
0x6b: {  	s22 =	sshll.u32 s24, $0x4;
	[sflag:s2] =	ssyncset.done @!p1 $0x0  }
0x6c: {  	s25 =	sand.u32 $0x10, s22;
	[sflag:s2] =	ssyncadd.s32 @!p1 $0xFFFFFFFF  }
0x6d: {  	s2 =	sxor.u32 $0x10, s25;
	v4 =	vld [tilespmem:s25+$0x10]  }
0x6e: {  	v5 =	vld [tilespmem:s2+$0x60]  }
0x6f: {  	v3 =	vld [tilespmem:$0x80];
	_ =	sdelay $0x2  }
0x70: {  	(v2sf) =	vpush v4, $0x0  }
0x71: {  	(v2sf) =	vpush v5, $0x0  }
0x72: {  	(v2sf) =	vpush v3, $0x0;
	_ =	sdelay $0xc  }
0x73: {  	s22 =	spop (v2sf)  }
0x74: {  	s26 =	spop (v2sf)  }
0x75: {  	s28 =	spop (v2sf)  }
0x76: {  	p2 =	seq.s32 s22, s26;
	p3 =	seq.s32 s28, s22  }
0x77: {  	p3 =	por p2, p3  }
0x78: {  	s26 =	sand.u32 $0x1, s24;
	v4 =	vpsel p3, $0xFFFFFFFF, v4  }
0x79: {  	s29 =	smul.u32 $0x1F40, s26;
	[tilespmem:s25+$0x10] =	vst.msk $0x1, v4  }
0x7a: {  	v4 =	vld [tilespmem:$0x30]  }
0x7b: {  	v5 =	vld [tilespmem:s29+$0x9D40]  }
0x7c: {  	v6 =	vld [tilespmem:s25+$0x40];
	_ =	sdelay $0x3  }
0x7d: {  	vm4 =	vmmov vm1;
	v5 =	vadd.f32 v5, v4  }
0x7e: {  	vm5 =	vmmov vm2;
	vm4 =	vmmov @p2 vm2;
	s22 =	sshll.u32 s26, $0x4;
	v4 =	vadd.f32 v6, v4  }
0x7f: {  	s26 =	sor.u32 $0x11A40, s22;
	vm5 =	vmmov @p3 vm1;
	[tilespmem:s29+$0x9D40] =	vst.msk vm4, v5  }
0x80: {  	[tilespmem:s26+$0x0] =	vst.msk vm5, v4  }
0x81: {  	v4 =	vld [tilespmem:s29+$0x7DF0];
	_ =	sdelay $0x3  }
0x82: {  	v5 =	vimm.f32 $0.0e+00  }
0x83: {  	v4 =	vshift.insert v4, v5, s21  }
0x84: {  	s22 =	sor.u32 $0x40, s2  }
0x85: {  	[tilespmem:s22+$0x0] =	vst.msk $0x1, v4  }
0x86: {  	[tilespmem:s29+$0x7DFF] =	vst.msk $0x1, v5  }
0x87: {  	v4 =	vld [tilespmem:s0+$0x2030];
	_ =	sdelay $0x1  }
0x88: {  	s22 =	smulhi.u32 $0xAAAAAAAB, s20;
	s0 =	simm.s32 $0x1  }
0x89: {  	s0 =	simm.s32 @!p0 $0x0  }
0x8a: {  	s22 =	sshrl.u32 s22, $0x1;
	s0 =	smul.u32 $0x7D00, s0  }
0x8b: {  	s22 =	smul.u32 $0xFFFE8900, s22;
	v4 =	vshift.insert v4, v1, s21  }
0x8c: {  	s0 =	sshrl.u32 s0, $0x2  }
0x8d: {  	s22 =	sshra.s32 s22, $0x2;
	s30 =	sadd.s32 $0x9D40, s0;
	[tilespmem:s2+$0x10] =	vst.msk $0x1, v4  }
0x8e: {  	s22 =	sadd.s32 s22, s19;
	v6 =	vld [tilespmem:s30+$0x0]  }
0x8f: {  	v7 =	vld [tilespmem:s22+$0x0];
	_ =	sdelay $0x3  }
0x90: {  	v5 =	vadd.f32 v6, v5  }
0x91: {  	vm4 =	vne.s32 v7, $0xFFFFFFFF  }
0x92: {  	(xrf2) =	vadd.seg.scan.f32 vm4, v5;
	_ =	sdelay $0x3  }
0x93: {  	s31 =	sadd.s32 $0x5EC0, s0;
	v5 =	vperm.xlane v4, v1  }
0x94: {  	v6 =	vld [tilespmem:s31+$0x0]  }
0x95: {  	vm5 =	veq.s32 v7, v3;
	vm6 =	veq.s32 v7, v5  }
0x96: {  	vm7 =	vgt.u32 v7, $0xFFFFFFFD;
	vm6 =	vmor vm6, vm5  }
0x97: {  	vm6 =	vmor vm6, vm7  }
0x98: {  	v9 =	vld [tilespmem:$0xA0];
	v7 =	vsel vm6, $0xFFFFFFFF, v7  }
0x99: {  	v10 =	vld [tilespmem:$0x90];
	v6 =	vsel vm5, $0x0, v6;
	v8, _, _ =	vpop (xrf2)  }
0x9a: {  	v6 =	vadd.f32 v8, v6  }
0x9b: {  	s0 =	sadd.s32 $0xDBC0, s0  }
0x9c: {  	vm4 =	vmand vm4, vm3;
	[tilespmem:s0+$0x0] =	vst v6;
	(ifvalue) =	ssetifvalue $0xFFFFFFFF  }
0x9d: {  	vm6 =	veq.s32 v9, $0x1;
	[hbm4b:s1+s16] =	stream.indirect_vreg.scatter [tilespmem:s0], [sflag:$0x2], $0x1, v7, vm0, $0x4038;
	v7 =	vsel vm4, $0x0, v8;
	[tilespmem:$0x11A60] =	vst v63  }
0x9e: {  	s2 =	simm.s32 $0x0;
	s22 =	sadd.s32 $0x10, s22;
	vm4 =	vmor vm6, vm5;
	v6 =	vsel vm5, v8, v10;
	v7 =	vshift.insert v7, v0, s21  }
.LBB2_7:
0x9f: {  	v8 =	vld [tilespmem:s22+$0x0];
	s30 =	sadd.s32 $0x10, s30  }
0xa0: {  	s31 =	sadd.s32 $0x10, s31;
	v9 =	vld [tilespmem:s30+$0x0]  }
0xa1: {  	s2 =	sadd.s32 $0x10, s2;
	v10 =	vld [tilespmem:s31+$0x0]  }
0xa2: {  	p2 =	slt.u32 s2, $0x1F30;
	_ =	sdelay $0x2  }
0xa3: {  	v7 =	vadd.f32 v9, v7  }
0xa4: {  	vm5 =	vne.s32 v8, $0xFFFFFFFF  }
0xa5: {  	vm6 =	vmand vm5, vm3;
	(xrf2) =	vadd.seg.scan.f32 vm5, v7;
	_ =	sdelay $0x5  }
0xa6: {  	vm7 =	veq.s32 v8, v5;
	vm5 =	veq.s32 v8, v3  }
0xa7: {  	vm8 =	vgt.u32 v8, $0xFFFFFFFD;
	vm4 =	vmor vm4, vm5;
	vm7 =	vmor vm7, vm5  }
0xa8: {  	vm7 =	vmor vm7, vm8  }
0xa9: {  	v8 =	vsel vm7, $0xFFFFFFFF, v8  }
.Ltmp5:
0xaa: {  	v7 =	vsel vm5, $0x0, v10;
	v9, _, _ =	vpop (xrf2);
	(pc) =	sbr.rel @p2 .LBB2_7-.Ltmp5, $4  }
0xab: {  	v6 =	vsel vm5, v9, v6;
	v10 =	vadd.f32 v9, v7;
	v7 =	vsel vm6, $0x0, v9  }
0xac: {  	s0 =	sadd.s32 $0x10, s0;
	v7 =	vshift.insert v7, v0, s21  }
0xad: {  	s22 =	sadd.s32 $0x10, s22;
	[tilespmem:s0+$0x0] =	vst v10;
	(ifvalue) =	ssetifvalue $0xFFFFFFFF  }
0xae: {  	[hbm4b:s1+s16] =	stream.indirect_vreg.scatter [tilespmem:s0], [sflag:$0x2], $0x1, v8, vm0, $0x4038;
	[tilespmem:$0x11A60] =	vst v63  }
0xaf: {  	v3 =	vld [tilespmem:s29+$0xFAF0];
	_ =	sdelay $0x4  }
0xb0: {  	v3 =	vshift.insert v3, v0, s21  }
0xb1: {  	s0 =	simm.s32 $0x30  }
0xb2: {  	[tilespmem:s0+$0x0] =	vst.msk $0x1, v3  }
0xb3: {  	v3 =	vsel vm4, $0x1, v1;
	[tilespmem:$0x90] =	vst v6  }
0xb4: {  	s0 =	sadd.s32 @!p1 $0xFAFF, s29;
	[tilespmem:$0xA0] =	vst v3  }
0xb5: {  	[spmem:s14] =	stream.linear.scatter @!p1 [tilespmem:s0], [sflag:$0x1], $0x1, $0x38;
	[tilespmem:$0x11A60] =	vst v63  }
0xb6: {  	s0 =	simm.s32 @!p1 $0x1  }
0xb7: {  	v3 =	vmctz.xlane @!p1 vm4;
	_ =	swait.ge @!p1 [sflag:s0], $0x1  }
0xb8: {  	(v2sf) =	vpush @!p1 v4, $0x0  }
0xb9: {  	(v2sf) =	vpush @!p1 v3, $0x0;
	_ =	sdelay $0xd  }
0xba: {  	s2 =	spop @!p1 (v2sf)  }
0xbb: {  	s22 =	spop @!p1 (v2sf)  }
0xbc: {  	p2 =	sne.s32 @!p1 s28, s2;
	p3 =	slt.s32 @!p1 s22, $0xF  }
0xbd: {  	[sflag:s0] =	ssyncset.done @!p1 $0x0;
	p2 =	por p2, p1;
	p3 =	por !p3, p1  }
0xbe: {  	[sflag:s0] =	ssyncadd.s32 @!p1 $0xFFFFFFFF;
	v3 =	vimm.s32 @!p2 $0xFFFFFFFF;
	s22 =	simm.s32 @p3 $0xF  }
0xbf: {  	[tilespmem:$0x80] =	vst @!p2 v3;
	s2 =	sadd.s32 @!p1 $0x90, s22  }
0xc0: {  	[spmem:s10] =	stream.linear.scatter @!p1 [tilespmem:s2], [sflag:$0x1], $0x1, $0x38;
	[tilespmem:$0x11A60] =	vst v63  }
0xc1: {  	_ =	swait.ge @!p1 [sflag:s0], $0x1  }
0xc2: {  	[sflag:s0] =	ssyncset.done @!p1 $0x0  }
0xc3: {  	s2 =	simm.s32 @!p1 $0x80;
	[sflag:s0] =	ssyncadd.s32 @!p1 $0xFFFFFFFF  }
0xc4: {  	[spmem:s15] =	stream.linear.scatter @!p1 [tilespmem:s2], [sflag:$0x1], $0x1, $0x38;
	[tilespmem:$0x11A60] =	vst v63  }
0xc5: {  	_ =	swait.ge @!p1 [sflag:s0], $0x1  }
0xc6: {  	[sflag:s0] =	ssyncset.done @!p1 $0x0  }
0xc7: {  	[sflag:s0] =	ssyncadd.s32 @!p1 $0xFFFFFFFF;
	(ifvalue) =	ssetifvalue $0xFFFFFFFF;
	v3 =	vld [tilespmem:s25+$0x10];
	_ =	sdelay $0x3  }
.Ltmp6:
0xc8: {  	_ = 	snop;
	(pc) =	sbr.rel .LBB2_9-.Ltmp6, $3  }
0xc9: {  	_ =	sdelay $0x1  }
0xca: {  	(ifvalue) =	ssetifvalue $0xFFFFFFFF  }
0xcb: {  	[hbm4b:s1+s16] =	stream.indirect_vreg.scatter [tilespmem:s26], [sflag:$0x9], $0x1, v3, vm0, $0x4038;
	[tilespmem:$0x11A60] =	vst v63  }
.LBB2_10:
0xcc: {  	_ =	sfence.sel $0x180000  }
0xcd: {  	s0 =	simm.s32 $0x7;
	[bflag:$0x0] =	sbarrier.arrive $0xFFFF  }
0xce: {  	s26 =	simm.s32 $0x8;
	[sflag:s0] =	ssyncpa.u1 $0x1  }
0xcf: {  	s28 =	simm.s32 $0x9;
	[sflag:s26] =	ssyncpa.u1 $0x1  }
0xd0: {  	[sflag:s28] =	ssyncpa.u1 $0x1  }
0xd1: {  	_ =	sfence.stream.spmem  }
0xd2: {  	s29 =	simm.s32 $0x3;
	[bflag:$0x0] =	sbarrier.arrive $0xFFFF  }
0xd3: {  	s30 =	simm.s32 $0x4;
	[sflag:s29] =	ssyncpa.u1 $0x1  }
0xd4: {  	s31 =	simm.s32 $0x3C;
	s2 =	stileid.u32;
	[sflag:s30] =	ssyncpa.u1 $0x1  }
0xd5: {  	p0 =	sne.s32 s2, $0x0;
	[sflag:s31] =	ssyncpa.u1 $0x1  }
0xd6: {  	s0 =	simm.s32 @p0 $0x1;
	_ =	sfence @p0  }
0xd7: {  	[sflag:s0] =	ssyncpa.u1 @p0 $0x1;
	s0 =	simm.s32 @p0 $0x2  }
0xd8: {  	[sflag:s0] =	ssyncpa.u1 @p0 $0x1  }
0xd9: {  	_ =	strace @p0 $0x9000004A  }
0xda: {  	[bflag:$0x2] =	sbarrier.arrive @p0 $0xFFFF  }
0xdb: {  	_ =	shalt @p0  }
.LBB2_11:
0xdc: {  	_ =	sfence.stream.spmem;
	s0 =	simm.s32 $0x5  }
0xdd: {  	s2 =	simm.s32 $0x80;
	s3 =	simm.s32 $0xC0;
	[sflag:s0] =	ssyncpa.u1 $0x0  }
0xde: {  	[tilespmem:s3], [sflag:$0x5] =	stream.linear.gather [spmem:s2], $0x20, $0x38;
	[tilespmem:$0x11A60] =	vst v63  }
0xdf: {  	s2 =	simm.s32 $0x0;
	s3 =	simm.s32 $0xE0  }
0xe0: {  	[tilespmem:s3], [sflag:$0x5] =	stream.linear.gather [spmem:s2], $0x20, $0x38;
	[tilespmem:$0x11A60] =	vst v63  }
.Ltmp7:
0xe1: {  	_ = 	snop;
	(pc) =	sbr.rel .LBB2_12-.Ltmp7, $4  }
0xe2: {  	_ =	swait.ge [sflag:s0], $0x40  }
0xe3: {  	[sflag:s0] =	ssyncset.done $0x0  }
0xe4: {  	s31 =	simm.s32 $0x6;
	[sflag:s0] =	ssyncadd.s32 $0xFFFFFFC0  }
0xe5: {  	s4 =	simm.s32 $0x0;
	[sflag:s31] =	ssyncpa.u1 $0x0  }
.LBB2_17:
0xe6: {  	p0 =	sgt.u32 s5, $0x27FF  }
0xe7: {  	s0 =	sshrl.u32 @!p0 s5, $0x3  }
0xe8: {  	s5 =	sand.u32 @!p0 $0x7, s5;
	s6 =	simm.s32 @!p0 $0xB0;
	s0 =	sadd.s32 @!p0 s1, s0  }
0xe9: {  	[tilespmem:s6], [sflag:$0x6] =	stream.linear.gather @!p0 [hbm4b:s0+s5], $0x1, $0x38;
	[tilespmem:$0x11A60] =	vst v63  }
0xea: {  	s0 =	simm.s32 @!p0 $0x6  }
0xeb: {  	_ =	swait.ge @!p0 [sflag:s0], $0x1  }
0xec: {  	[sflag:s0] =	ssyncset.done @!p0 $0x0  }
0xed: {  	[sflag:s0] =	ssyncadd.s32 @!p0 $0xFFFFFFFF  }
0xee: {  	v2 =	vmov @!p0 s4;
	v1 =	vld.msk @!p0 [tilespmem:$0xB0], $0x1;
	_ =	sdelay $0x3  }
0xef: {  	s0 =	simm.s32 @!p0 $0xE0  }
0xf0: {  	[tilespmem:v2+s0+$0x0], v1 =	vst.idx.ret.add.f32.msk @!p0 $0x1, v1  }
0xf1: {  	[tilespmem:s2+$0xC0] =	vst.msk $0x1, v0  }
0xf2: {  	v0 =	vld.msk [tilespmem:s4+$0xE0], $0x1;
	_ =	sdelay $0x4  }
0xf3: {  	[tilespmem:s2+$0xE0] =	vst.msk $0x1, v0;
	s2 =	sadd.s32 $0x1, s2  }
.LBB2_19:
0xf4: {  	s4 =	sadd.s32 $0x1, s4  }
0xf5: {  	p0 =	sne.s32 s4, $0x20  }
.Ltmp8:
0xf6: {  	_ = 	snop;
	(pc) =	sbr.rel @!p0 .LBB2_20-.Ltmp8, $1  }
0xf7: {  	_ =	sdelay $0x3  }
.LBB2_12:
0xf8: {  	v0 =	vld.msk [tilespmem:s4+$0xC0], $0x1;
	_ =	sdelay $0x4  }
0xf9: {  	(v2sf) =	vpush v0, $0x0;
	_ =	sdelay $0xe  }
0xfa: {  	s5 =	spop (v2sf)  }
0xfb: {  	p0 =	seq.s32 s5, $0xFFFFFFFF  }
.Ltmp9:
0xfc: {  	_ = 	snop;
	(pc) =	sbr.rel @p0 .LBB2_19-.Ltmp9, $1  }
0xfd: {  	_ =	sdelay $0x3  }
0xfe: {  	p0 =	slt.s32 s2, $0x1  }
.Ltmp10:
0xff: {  	_ = 	snop;
	(pc) =	sbr.rel @p0 .LBB2_17-.Ltmp10, $1  }
0x100: {  	_ =	sdelay $0x3  }
0x101: {  	s0 =	simm.s32 $0xC0;
	p0 =	por $0x0, $0x0  }
0x102: {  	v1 =	vld.msk @!p0 [tilespmem:s0+$0x0], $0x1;
	_ =	sdelay $0x4  }
0x103: {  	(v2sf) =	vpush @!p0 v1, $0x0;
	_ =	sdelay $0xd  }
0x104: {  	p2 =	sne.s32 s2, $0x1  }
.Ltmp11:
0x105: {  	s6 =	spop @!p0 (v2sf);
	(pc) =	sbr.rel @!p2 .LBB2_16-.Ltmp11, $4  }
0x106: {  	p1 =	seq.s32 @!p0 s5, s6  }
0x107: {  	s6 =	simm.s32 $0x0;
	p1 =	por !p1, p0  }
0x108: {  	s8 =	simm.s32 $0xFFFFFFFF;
	s6 =	simm.s32 @p1 $0xFFFFFFFF  }
0x109: {  	s7 =	simm.s32 $0x1;
	s6 =	smov.u32 @p0 s8  }
.LBB2_15:
0x10a: {  	s8 =	smov.u32 s6;
	p0 =	sne.s32 s6, $0xFFFFFFFF  }
0x10b: {  	s0 =	sadd.s32 $0x1, s0;
	s6 =	smov.u32 s7;
	s7 =	sadd.s32 $0x1, s7  }
0x10c: {  	p1 =	sne.s32 s2, s7;
	v1 =	vld.msk @!p0 [tilespmem:s0+$0x0], $0x1;
	_ =	sdelay $0x4  }
0x10d: {  	(v2sf) =	vpush @!p0 v1, $0x0;
	_ =	sdelay $0xe  }
.Ltmp12:
0x10e: {  	s9 =	spop @!p0 (v2sf);
	(pc) =	sbr.rel @p1 .LBB2_15-.Ltmp12, $4  }
0x10f: {  	p2 =	seq.s32 @!p0 s5, s9  }
0x110: {  	p2 =	por !p2, p0  }
0x111: {  	s6 =	simm.s32 @p2 $0xFFFFFFFF  }
0x112: {  	s6 =	smov.u32 @p0 s8  }
.LBB2_16:
0x113: {  	p0 =	sne.s32 s6, $0xFFFFFFFF  }
.Ltmp13:
0x114: {  	_ = 	snop;
	(pc) =	sbr.rel @!p0 .LBB2_17-.Ltmp13, $1  }
0x115: {  	_ =	sdelay $0x3  }
0x116: {  	v0 =	vld.msk [tilespmem:s4+$0xE0], $0x1;
	v1 =	vmov s6  }
.Ltmp14:
0x117: {  	_ = 	snop;
	(pc) =	sbr.rel .LBB2_19-.Ltmp14, $2  }
0x118: {  	_ =	sdelay $0x2  }
0x119: {  	[tilespmem:v1+s3+$0x0], v0 =	vst.idx.ret.add.f32.msk $0x1, v0  }
.LBB2_20:
0x11a: {  	p0 =	slt.s32 s2, $0x1  }
.Ltmp15:
0x11b: {  	_ = 	snop;
	(pc) =	sbr.rel @p0 .LBB2_24-.Ltmp15, $3  }
0x11c: {  	_ =	sdelay $0x1  }
0x11d: {  	s0 =	simm.s32 $0x6  }
0x11e: {  	s3 =	simm.s32 $0x0;
	[sflag:s0] =	ssyncpa.u1 $0x1  }
0x11f: {  	s0 =	simm.s32 $0xC0  }
0x120: {  	v0 =	vld.msk [tilespmem:s0+$0x0], $0x1;
	_ =	sdelay $0x4  }
0x121: {  	(v2sf) =	vpush v0, $0x0;
	_ =	sdelay $0xe  }
0x122: {  	s2 =	sadd.s32 $0xFFFFFFFF, s2;
	s4 =	spop (v2sf)  }
0x123: {  	p1 =	sne.s32 s2, $0x0;
	p0 =	sgt.u32 s4, $0x27FF  }
.Ltmp16:
0x124: {  	s5 =	sshrl.u32 @!p0 s4, $0x3;
	(pc) =	sbr.rel @!p1 .LBB2_23-.Ltmp16, $4  }
0x125: {  	s0 =	simm.s32 $0xE0;
	s4 =	sand.u32 @!p0 $0x7, s4;
	s5 =	sadd.s32 @!p0 s1, s5  }
0x126: {  	[hbm4b:s5+s4] =	stream.linear.scatter @!p0 [tilespmem:s0], [sflag:$0x5], $0x1, $0x38;
	[tilespmem:$0x11A60] =	vst v63  }
0x127: {  	s5 =	simm.s32 $0x0  }
0x128: {  	s4 =	simm.s32 $0xC1;
	s5 =	simm.s32 @!p0 $0x4  }
.LBB2_22:
0x129: {  	v0 =	vld.msk [tilespmem:s4+$0x0], $0x1;
	s2 =	sadd.s32 $0xFFFFFFFF, s2;
	s3 =	sadd.s32 s3, s5  }
0x12a: {  	p0 =	sne.s32 s2, $0x0;
	_ =	sdelay $0x3  }
0x12b: {  	(v2sf) =	vpush v0, $0x0;
	_ =	sdelay $0xe  }
.Ltmp17:
0x12c: {  	s6 =	spop (v2sf);
	(pc) =	sbr.rel @p0 .LBB2_22-.Ltmp17, $4  }
0x12d: {  	s5 =	simm.s32 $0x0;
	p1 =	sgt.u32 s6, $0x27FF  }
0x12e: {  	s0 =	sadd.s32 $0x1, s0;
	s5 =	simm.s32 @!p1 $0x4;
	s7 =	sshrl.u32 @!p1 s6, $0x3  }
0x12f: {  	s4 =	sadd.s32 $0x1, s4;
	s6 =	sand.u32 @!p1 $0x7, s6;
	s7 =	sadd.s32 @!p1 s1, s7  }
0x130: {  	[hbm4b:s7+s6] =	stream.linear.scatter @!p1 [tilespmem:s0], [sflag:$0x5], $0x1, $0x38;
	[tilespmem:$0x11A60] =	vst v63  }
.LBB2_23:
0x131: {  	s0 =	sadd.s32 s3, s5  }
0x132: {  	s3 =	sshrl.u32 s0, $0x2  }
.LBB2_24:
0x133: {  	s0 =	simm.s32 $0x5  }
0x134: {  	_ =	swait.ge [sflag:s0], s3  }
0x135: {  	s1 =	ssub.s32 $0x0, s3;
	[sflag:s0] =	ssyncset.done $0x0  }
0x136: {  	[sflag:s0] =	ssyncadd.s32 s1  }
0x137: {  	[sflag:s0] =	ssyncpa.u1 $0x1  }
0x138: {  	s29 =	simm.s32 $0x1;
	_ =	sfence  }
0x139: {  	s30 =	simm.s32 $0x2;
	[sflag:s29] =	ssyncpa.u1 $0x1  }
0x13a: {  	[sflag:s30] =	ssyncpa.u1 $0x1  }
0x13b: {  	_ =	strace $0x9000004A  }
0x13c: {  	[bflag:$0x2] =	sbarrier.arrive $0xFFFF  }
0x13d: {  	s31 =	rddreg [dreg:$0x2]  }
0x13e: {  	s0 =	sadd.s32 $0x100000, s31  }
0x13f: {  	[sflag:s0] =	ssyncadd.tile.s32 $0x1;
	_ =	shalt  }
.Lfunc_end2:
_tile_overlayer_lowered:
.L_overlay_start_2:
0x140: {  	(tag) =	ssettag $0x2  }
0x141: {  	s0 =	rddreg [dreg:$0x0];
	s2 =	stileid.u32  }
0x142: {  	s1 =	rddreg [dreg:$0x1];
	p0 =	sne.s32 s2, $0x0  }
0x143: {  	s3 =	rddreg [dreg:$0x2];
	[bflag:$0x3] =	sbarrier.arrive $0xFFFF;
	s2 =	simm.s32 @!p0 $0x1C01  }
0x144: {  	[timem:s3], [sflag:s2] =	dma.local @!p0 [hbm:s0], s1  }
0x145: {  	s0 =	simm.s32 @!p0 $0x1  }
0x146: {  	_ =	swait.ge @!p0 [sflag:s0], s1  }
0x147: {  	s1 =	ssub.s32 @!p0 $0x0, s1;
	[sflag:s0] =	ssyncset.done @!p0 $0x0  }
0x148: {  	[sflag:s0] =	ssyncadd.s32 @!p0 s1  }
0x149: {  	[bflag:$0x3] =	sbarrier.arrive $0xFFFF  }
0x14a: {  	_ =	shalt  }

// kernel: scatter_offload_async_start
scs
__scs_entry_jumppad:
0x0: {  	(pc) =	sbr.rel $0x88, $3  }
0x1: {  	(tag) =	ssettag $0x0;
	lr =	simm.s32 $0x1  }
0x2: {  	[smem:$0x3F96] =	sst lr;
	_ =	strace $0xD0000000  }
0x3: {  	_ = 	snop  }
0x4: {  	_ = 	snop  }
0x5: {  	_ = 	snop  }
0x6: {  	_ = 	snop  }
0x7: {  	_ = 	snop  }
__scs_overlays_trampoline_lowered:
0x8: {  	[smem:$0x3FA5] =	sst s0  }
0x9: {  	[smem:$0x3FA6] =	sst s1  }
0xa: {  	[smem:$0x3FA7] =	sst s2  }
0xb: {  	[smem:$0x3FA8] =	sst s3  }
0xc: {  	[smem:$0x3FA9] =	sst s4  }
0xd: {  	[smem:$0x3FAA] =	sst s5  }
0xe: {  	[smem:$0x3FAB] =	sst s6  }
0xf: {  	[smem:$0x3FAC] =	sst s7  }
0x10: {  	[smem:$0x3FAD] =	sst s8  }
0x11: {  	[smem:$0x3FAE] =	sst s9;
	s0 =	simm.s32 @!p0 $0x0  }
0x12: {  	s1 =	sld [smem:$0x3F94];
	s0 =	simm.s32 @p0 $0x1  }
0x13: {  	[smem:$0x3FAF] =	sst s0;
	s0 =	simm.s32 @!p1 $0x0  }
0x14: {  	s2 =	sld [smem:$0x3F93];
	s0 =	simm.s32 @p1 $0x1  }
0x15: {  	[smem:$0x3FB0] =	sst s0;
	s0 =	simm.s32 @!p2 $0x0  }
0x16: {  	s3 =	sld [smem:$0x3FDB];
	s0 =	simm.s32 @p2 $0x1  }
0x17: {  	s4 =	simm.s32 $0x1BF5;
	[smem:$0x3FB2] =	sst s0  }
0x18: {  	s0 =	sld [smem:$0x3F95];
	_ =	swait.ge [sflag:s4], $0x0  }
0x19: {  	s7 =	sld [smem:$0x3F96]  }
0x1a: {  	s8 =	sadd.s32 $0xFFFFE003, lr  }
0x1b: {  	s9 =	sadd.s32 $0xFFFFFEF7, lr;
	s5 =	simm.s32 $0xFFFFFFFF;
	p2 =	slt.u32 s8, $0xFFFFF086  }
0x1c: {  	p1 =	slt.u32 s9, $0xF7A;
	s5 =	simm.s32 @!p2 $0x0  }
0x1d: {  	s5 =	simm.s32 @p1 $0x1;
	p0 =	seq.s32 s7, s2  }
0x1e: {  	s7 =	smul.u32 @!p0 $0xF7A, s2;
	p2 =	seq.s32 @!p0 s5, $0x0  }
0x1f: {  	s9 =	smul.u32 $0xF7A, s1;
	s8 =	simm.s32 @!p0 $0x1BF5;
	p2 =	por !p2, p0  }
0x20: {  	[sflag:s8] =	ssyncset.s32 @!p0 $0xFFFFF086;
	s6 =	sadd.s32 @!p0 s3, s7;
	s7 =	simm.s32 @!p0 $0x108  }
0x21: {  	s3 =	sadd.s32 s3, s9;
	s6 =	sadd.s32 @!p0 $0x88, s6;
	s7 =	simm.s32 @p2 $0x1082  }
0x22: {  	[simem:s7], [sflag:s8] =	dma.local @!p0 [hbm:s6], $0xF7A  }
0x23: {  	s9 =	sor.u32 $0xD0000000, s2;
	s6 =	simm.s32 $0x108;
	_ =	swait.ge @!p0 [sflag:s8], $0x0  }
0x24: {  	s3 =	sadd.s32 $0x88, s3;
	s6 =	simm.s32 @!p1 $0x1082;
	[sflag:s4] =	ssyncset.s32 $0xFFFFF086  }
0x25: {  	[simem:s6], [sflag:s4] =	dma.local [hbm:s3], $0xF7A  }
0x26: {  	[smem:$0x3F96] =	sst s1;
	(tag) =	ssettag s2;
	_ =	strace s9  }
0x27: {  	s1 =	sld [smem:$0x3FA6]  }
0x28: {  	s2 =	sld [smem:$0x3FA7]  }
0x29: {  	s4 =	sld [smem:$0x3FA9]  }
0x2a: {  	p0 =	seq.s32 s5, $0x0;
	s5 =	sld [smem:$0x3FAA]  }
0x2b: {  	s6 =	sld [smem:$0x3FAB]  }
0x2c: {  	s7 =	sld [smem:$0x3FAC]  }
0x2d: {  	s3 =	simm.s32 $0x108;
	s8 =	sld [smem:$0x3FAD]  }
0x2e: {  	s3 =	simm.s32 @!p0 $0x1082;
	s9 =	sld [smem:$0x3FAE]  }
0x2f: {  	lr =	sadd.s32 s0, s3;
	s0 =	sld [smem:$0x3FA5]  }
0x30: {  	s3 =	sld [smem:$0x3FA8]  }
0x31: {  	[smem:$0x3FB1] =	sst s10  }
0x32: {  	s10 =	sld [smem:$0x3FAF];
	_ =	sdelay $0x3  }
0x33: {  	p0 =	seq.s32 s10, $0x1;
	s10 =	sld [smem:$0x3FB1];
	_ =	sdelay $0x3  }
0x34: {  	[smem:$0x3FB1] =	sst s10  }
0x35: {  	s10 =	sld [smem:$0x3FB0];
	_ =	sdelay $0x3  }
0x36: {  	p1 =	seq.s32 s10, $0x1;
	s10 =	sld [smem:$0x3FB1];
	_ =	sdelay $0x3  }
0x37: {  	[smem:$0x3FB1] =	sst s10  }
0x38: {  	s10 =	sld [smem:$0x3FB2]  }
0x39: {  	_ = 	snop;
	(pc) =	sbr.ind lr, $3  }
0x3a: {  	_ = 	snop  }
0x3b: {  	_ = 	snop  }
0x3c: {  	p2 =	seq.s32 s10, $0x1;
	s10 =	sld [smem:$0x3FB1]  }
0x3d: {  	_ =	shalt  }
0x3e: {  	_ =	shalt  }
0x3f: {  	_ =	shalt  }
0x40: {  	_ =	shalt  }
0x41: {  	_ =	shalt  }
0x42: {  	_ =	shalt  }
0x43: {  	_ =	shalt  }
0x44: {  	_ =	shalt  }
0x45: {  	_ =	shalt  }
0x46: {  	_ =	shalt  }
0x47: {  	_ =	shalt  }
0x48: {  	_ =	shalt  }
0x49: {  	_ =	shalt  }
0x4a: {  	_ =	shalt  }
0x4b: {  	_ =	shalt  }
0x4c: {  	_ =	shalt  }
0x4d: {  	_ =	shalt  }
0x4e: {  	_ =	shalt  }
0x4f: {  	_ =	shalt  }
0x50: {  	_ =	shalt  }
0x51: {  	_ =	shalt  }
0x52: {  	_ =	shalt  }
0x53: {  	_ =	shalt  }
0x54: {  	_ =	shalt  }
0x55: {  	_ =	shalt  }
0x56: {  	_ =	shalt  }
0x57: {  	_ =	shalt  }
0x58: {  	_ =	shalt  }
0x59: {  	_ =	shalt  }
0x5a: {  	_ =	shalt  }
0x5b: {  	_ =	shalt  }
0x5c: {  	_ =	shalt  }
0x5d: {  	_ =	shalt  }
0x5e: {  	_ =	shalt  }
0x5f: {  	_ =	shalt  }
0x60: {  	_ =	shalt  }
0x61: {  	_ =	shalt  }
0x62: {  	_ =	shalt  }
0x63: {  	_ =	shalt  }
0x64: {  	_ =	shalt  }
0x65: {  	_ =	shalt  }
0x66: {  	_ =	shalt  }
0x67: {  	_ =	shalt  }
0x68: {  	_ =	shalt  }
0x69: {  	_ =	shalt  }
0x6a: {  	_ =	shalt  }
0x6b: {  	_ =	shalt  }
0x6c: {  	_ =	shalt  }
0x6d: {  	_ =	shalt  }
0x6e: {  	_ =	shalt  }
0x6f: {  	_ =	shalt  }
0x70: {  	_ =	shalt  }
0x71: {  	_ =	shalt  }
0x72: {  	_ =	shalt  }
0x73: {  	_ =	shalt  }
0x74: {  	_ =	shalt  }
0x75: {  	_ =	shalt  }
0x76: {  	_ =	shalt  }
0x77: {  	_ =	shalt  }
0x78: {  	_ =	shalt  }
0x79: {  	_ =	shalt  }
0x7a: {  	_ =	shalt  }
0x7b: {  	_ =	shalt  }
0x7c: {  	_ =	shalt  }
0x7d: {  	_ =	shalt  }
0x7e: {  	_ =	shalt  }
0x7f: {  	_ =	shalt  }
0x80: {  	_ =	shalt  }
0x81: {  	_ =	shalt  }
0x82: {  	_ =	shalt  }
0x83: {  	_ =	shalt  }
0x84: {  	_ =	shalt  }
0x85: {  	_ =	shalt  }
0x86: {  	_ =	shalt  }
0x87: {  	_ =	shalt  }
.Lfunc_end0:
.L_simem_size_0:
called_computation_lowered:
.L_overlay_start_0:
0x88: {  	s0 =	sld [smem:$0x3FD9]  }
0x89: {  	s1 =	sld [smem:$0x3FFE];
	_ =	sdelay $0x3  }
0x8a: {  	s0 =	sadd.s32 s1, s0  }
0x8b: {  	[smem:$0x3FBD] =	sst s0  }
0x8c: {  	_ = 	snop  }
0x8d: {  	(tm) =	ssettm $0x1  }
0x8e: {  	s15 =	sld [smem:$0x3FFB];
	_ =	sdelay $0x3  }
0x8f: {  	_ =	strace s15  }
0x90: {  	s0 =	sld [smem:$0x3FFC];
	_ =	sdelay $0x3  }
0x91: {  	_ =	strace s0  }
0x92: {  	s0 =	sld [smem:$0x3FFD];
	_ =	sdelay $0x3  }
0x93: {  	_ =	strace s0  }
0x94: {  	_ =	strace $0x8FFFFFFF  }
0x95: {  	s16 =	sld [smem:$0x3FDB];
	_ =	sdelay $0x1  }
0x96: {  	s17 =	simm.s32 $_scs_section_size  }
0x97: {  	s2 =	simm.s32 $_size__tile_overlayer_lowered;
	s3 =	simm.s32 $_tile_overlayer_lowered  }
0x98: {  	s20 =	simm.s32 $0x1BFF;
	s19 =	sshll.u32 s3, $0x1;
	s0 =	sadd.s32 s17, s16  }
0x99: {  	s4 =	simm.s32 $0x0;
	s18 =	sshll.u32 s2, $0x1;
	s2 =	sadd.s32 s19, s0  }
0x9a: {  	[timem:s4], [sflag:s20] =	dma.local [hbm:s2], s18  }
0x9b: {  	_ =	swait.ge [sflag:s20], s18  }
0x9c: {  	s1 =	ssub.s32 $0x0, s18;
	[sflag:s20] =	ssyncset.done $0x0  }
0x9d: {  	[sflag:s20] =	ssyncadd.s32 s1;
	_ =	sdelay $0x1  }
0x9e: {  	s21 =	simm.s32 $0x1B8B  }
0x9f: {  	_ =	swait.ge [sflag:s21], $0x1  }
0xa0: {  	[sflag:s21] =	ssyncset.done $0x0  }
0xa1: {  	s23 =	simm.s32 $0x1B8E;
	s22 =	sld [smem:$0x3FFE];
	[sflag:s21] =	ssyncadd.s32 $0xFFFFFFFF  }
0xa2: {  	s24 =	simm.s32 $execute0_lowered;
	[smem:$0x3FD2] =	sst s23  }
0xa3: {  	s2 =	sshll.u32 s24, $0x1;
	_ =	strace $0x80000046;
	[dreg:$0x1] =	wrdreg $0xFFFFFFFF  }
0xa4: {  	s25 =	simm.s32 $_size_execute0_lowered;
	s0 =	sadd.s32 s0, s2;
	[dreg:$0x0] =	wrdreg $0x0  }
0xa5: {  	s2 =	sshll.u32 s25, $0x1;
	[dreg:$0x2] =	wrdreg s0  }
0xa6: {  	[dreg:$0x3] =	wrdreg s2  }
0xa7: {  	[dreg:$0x4] =	wrdreg $0xC0  }
0xa8: {  	_ =	task [dreg:s4], $0x5FFFF  }
0xa9: {  	[dreg:$0x1] =	wrdreg $0xFFFFFFFF  }
0xaa: {  	[dreg:$0x0] =	wrdreg $0x60  }
0xab: {  	[dreg:$0x2] =	wrdreg s22  }
0xac: {  	[dreg:$0x3] =	wrdreg $0x9  }
0xad: {  	_ =	task.clear_ibuf [dreg:s4], $0x4FFFF;
	_ =	strace $0x90000046  }
0xae: {  	s26 =	simm.s32 $0x9;
	_ =	strace $0x80000048  }
0xaf: {  	_ =	swait.ge [sflag:s26], $0x1  }
0xb0: {  	[sflag:s26] =	ssyncadd.s32 $0xFFFFFFFF  }
0xb1: {  	_ =	strace $0x90000048  }
0xb2: {  	_ =	sfence  }
0xb3: {  	s28 =	sld [smem:$0x0];
	_ =	sdelay $0x1  }
0xb4: {  	s29 =	srdreg.scid  }
0xb5: {  	s30 =	sshll.u32 s29, $0xD;
	s31 =	sshrl.u32 s29, $0x2  }
0xb6: {  	s1 =	sand.u32 $0x1, s29;
	s2 =	sand.u32 $0x4000, s30;
	s0 =	sadd.s32 s31, s28  }
0xb7: {  	s1 =	sor.u32 s2, s1;
	s0 =	sshll.u32 s0, $0x11  }
0xb8: {  	s0 =	sor.u32 s0, s1  }
0xb9: {  	s0 =	sadd.s32 $0x8F2B, s0  }
0xba: {  	[sflag:s0] =	ssyncadd.remote.s32 $0x1  }
0xbb: {  	_ =	sfence.sel $0xFFFF  }
0xbc: {  	[dreg:$0x0] =	wrdreg $0xFFFFFFFF;
	(pc) =	sbr.abs _section_cstart, $3  }
0xbd: {  	[dreg:$0x1] =	wrdreg $0xFFFFFFFF  }
0xbe: {  	_ =	task.clear_ibuf [dreg:s4], $0x2FFFF;
	_ =	strace $0x9FFFFFFF  }
0xbf: {  	(tm) =	ssettm $0x7FFFFFFF  }
tec
execute0_lowered:
.L_overlay_start_1:
0x0: {  	(tag) =	ssettag $0x1  }
0x1: {  	s0 =	rddreg [dreg:$0x0]  }
0x2: {  	s14 =	stileid.u32;
	_ =	strace $0x80000047;
	s2 =	simm.s32 $0x1  }
0x3: {  	v1 =	vimm.s32 $0xFFFFFFFF;
	s1 =	smin.u32 s14, $0x4;
	[sflag:s2] =	ssyncpa.u1 $0x0  }
0x4: {  	s1 =	sadd.s32 s14, s1;
	[tilespmem:$0x10] =	vst v1  }
0x5: {  	v0 =	vimm.f32 $0.0e+00;
	p0 =	slt.u32 s14, $0x4;
	[tilespmem:$0x20] =	vst v1;
	s3 =	smul.u32 $0x1F40, s1;
	s1 =	simm.s32 $0x3E80  }
0x6: {  	[tilespmem:$0x30] =	vst v0;
	s1 =	simm.s32 @!p0 $0x1F40  }
0x7: {  	[tilespmem:$0x40] =	vst v0;
	s1 =	sadd.s32 s1, s3  }
0x8: {  	[tilespmem:$0x50] =	vst v0;
	s4 =	smin.u32 s1, $0x27100  }
0x9: {  	[tilespmem:$0x60] =	vst v1;
	s9 =	ssub.s32 s4, s3  }
0xa: {  	s7 =	simm.s32 $0x2;
	s8 =	simm.s32 $0x8;
	[tilespmem:$0x70] =	vst v1;
	p0 =	sgt.s32 s9, $0x0  }
0xb: {  	s31 =	simm.s32 $0x9;
	s16 =	simm.s32 $0x0;
	[tilespmem:$0x80] =	vst v1;
	s9 =	simm.s32 @!p0 $0x0  }
0xc: {  	s17 =	simm.s32 $0xF0;
	s18 =	simm.s32 $0xFFFFFFFF;
	v1 =	vimm.s32 $0x0;
	[tilespmem:$0xB0] =	vst v0;
	s5 =	smulhi.u32 $0x10624DD3, s9  }
0xd: {  	s19 =	simm.s32 $0xFFFFC280;
	s20 =	simm.s32 $0xFFFFFFFE;
	s21 =	simm.s32 $0xF;
	[tilespmem:$0x90] =	vst v1  }
0xe: {  	[tilespmem:$0xA0] =	vst v1;
	[sflag:s7] =	ssyncpa.u1 $0x0;
	s7 =	simm.s32 $0x7;
	s10 =	sshrl.u32 s5, $0x9  }
0xf: {  	s25 =	simm.s32 $0x0;
	[sflag:s7] =	ssyncpa.u1 $0x0;
	s11 =	smul.u32 $0x1F40, s10  }
0x10: {  	s24 =	simm.s32 $0x0;
	s6 =	sadd.s32 $0x10A00, s0;
	[sflag:s8] =	ssyncpa.u1 $0x0  }
.Ltmp0:
0x11: {  	s23 =	smov.u32 s3;
	p0 =	sne.s32 s9, s11;
	(pc) =	sbr.rel .LBB2_1-.Ltmp0, $4  }
0x12: {  	s1 =	sadd.s32 $0x15C00, s0;
	[sflag:s31] =	ssyncpa.u1 $0x0;
	s2 =	simm.s32 @!p0 $0x0  }
0x13: {  	s5 =	sadd.s32 $0xBA00, s0;
	p0 =	por $0x0, $0x0;
	s9 =	sadd.s32 s2, s10  }
0x14: {  	vm0 =	vmmov $0xffff;
	v2 =	vlaneseq.u32;
	s10 =	sshll.u32 s14, $0x1;
	s14 =	sshllo.u32 s14, $0x1;
	s11 =	sadd.s32 $0x1, s9  }
0x15: {  	vm1 =	vmxor vm1, vm1;
	vm2 =	vmmov $0x1;
	vm3 =	vcmask $0x3F3C;
	s12 =	sadd.s32 $0x2, s9;
	s13 =	sor.u32 $0x81, s10;
	s15 =	sor.u32 $0x80, s10  }
.LBB2_9:
0x16: {  	p1 =	slt.u32 s24, $0x3  }
0x17: {  	s0 =	simm.s32 @!p1 $0x2  }
0x18: {  	_ =	swait.ge @!p1 [sflag:s0], $0x1F40  }
0x19: {  	[sflag:s0] =	ssyncset.done @!p1 $0x0  }
0x1a: {  	[sflag:s0] =	ssyncadd.s32 @!p1 $0xFFFFE0C0;
	s0 =	simm.s32 @!p1 $0x9  }
0x1b: {  	_ =	swait.ge @!p1 [sflag:s0], $0x10  }
0x1c: {  	[sflag:s0] =	ssyncset.done @!p1 $0x0  }
0x1d: {  	[sflag:s0] =	ssyncadd.s32 @!p1 $0xFFFFFFF0;
	p1 =	sne.s32 s24, s12  }
.Ltmp1:
0x1e: {  	s2 =	sadd.s32 $0x1F40, s23;
	(pc) =	sbr.rel @!p1 .LBB2_10-.Ltmp1, $4  }
0x1f: {  	s22 =	smov.u32 s3;
	s31 =	sadd.s32 $0x1, s24;
	s17 =	sadd.s32 $0x1F40, s17  }
0x20: {  	s18 =	sadd.s32 $0x1, s18;
	s25 =	smov.u32 s23;
	p2 =	slt.s32 s2, s4  }
0x21: {  	p0 =	por !p0, !p0;
	s19 =	sadd.s32 $0x1F40, s19;
	s22 =	smov.u32 @p2 s2  }
0x22: {  	s20 =	sadd.s32 $0x1, s20;
	s23 =	smov.u32 s22;
	s24 =	smov.u32 s31  }
.LBB2_1:
0x23: {  	p1 =	sge.u32 s24, s9  }
0x24: {  	s0 =	smulhi.u32 @!p1 $0xAAAAAAAB, s24;
	_ =	sdelay $0x1  }
0x25: {  	s0 =	sshrl.u32 @!p1 s0, $0x1  }
0x26: {  	s0 =	smul.u32 @!p1 $0x3, s0;
	_ =	sdelay $0x1  }
0x27: {  	s0 =	ssub.s32 @!p1 s24, s0  }
0x28: {  	s0 =	smul.u32 @!p1 $0x7D00, s0;
	_ =	sdelay $0x1  }
0x29: {  	s2 =	sshrl.u32 @!p1 s23, $0x3;
	s0 =	sshrl.u32 @!p1 s0, $0x2  }
0x2a: {  	s22 =	sand.u32 @!p1 $0x7, s23;
	s2 =	sadd.s32 @!p1 s5, s2;
	s0 =	sadd.s32 @!p1 $0x100, s0  }
0x2b: {  	[tilespmem:s0], [sflag:$0x7] =	stream.linear.gather @!p1 [hbm4b:s2+s22], $0x1F40, $0x38;
	[tilespmem:$0x11A60] =	vst v63  }
0x2c: {  	s0 =	sadd.s32 $0xFFFFFFFF, s24  }
0x2d: {  	p1 =	sge.u32 s0, s9  }
.Ltmp2:
0x2e: {  	_ = 	snop;
	(pc) =	sbr.rel @p1 .LBB2_5-.Ltmp2, $1  }
0x2f: {  	_ =	sdelay $0x3  }
0x30: {  	s2 =	smulhi.u32 $0xAAAAAAAB, s0;
	_ =	sdelay $0x1  }
0x31: {  	s2 =	sshrl.u32 s2, $0x1  }
0x32: {  	s2 =	smul.u32 $0x3, s2;
	_ =	sdelay $0x1  }
0x33: {  	s2 =	ssub.s32 s0, s2  }
0x34: {  	s2 =	smul.u32 $0x7D00, s2  }
0x35: {  	_ =	swait.ge [sflag:s7], $0x1F40  }
0x36: {  	[sflag:s7] =	ssyncset.done $0x0;
	s2 =	sshrl.u32 s2, $0x2  }
0x37: {  	[sflag:s7] =	ssyncadd.s32 $0xFFFFE0C0;
	(ifvalue) =	ssetifvalue $0xFFFFFFFF;
	v3 =	vld.msk [tilespmem:s2+$0x100 ss:$0x1], $0xffff;
	_ =	sdelay $0x2  }
0x38: {  	s30 =	smulhi.u32 $0xAAAAAAAB, s18;
	p1 =	sne.s32 s24, $0x1  }
0x39: {  	v4 =	vimm.s32 @!p1 $0x0  }
0x3a: {  	s2 =	sshrl.u32 s30, $0x1;
	v4 =	vperm.xlane @!p1 v3, v4  }
0x3b: {  	s22 =	sshll.u32 s24, $0x4;
	s2 =	smul.u32 $0xFFFE8900, s2;
	vm4 =	vlt.u32 v3, $0x2800  }
0x3c: {  	s22 =	sand.u32 $0x10, s22;
	v3 =	vnsel vm4, $0xFFFFFFFE, v3;
	vm4 =	vlt.u32 @!p1 v4, $0x2800  }
0x3d: {  	s2 =	sshra.s32 s2, $0x2;
	[tilespmem:s22+$0x60] =	vst v3;
	v3 =	vnsel @!p1 vm4, $0xFFFFFFFE, v4  }
0x3e: {  	s28 =	sadd.s32 s2, s17;
	[tilespmem:$0x80] =	vst @!p1 v3  }
0x3f: {  	v3 =	vld.msk [tilespmem:s28+$0x0 ss:$0x1], $0xffff;
	_ =	sdelay $0x4  }
0x40: {  	(xrf1) =	vunique.msk.u32 $0xffff, v3;
	_ =	sdelay $0xd  }
0x41: {  	v4 =	vimm.s32 $0xFFFFFFFF;
	v5, _, _ =	vpop (xrf1)  }
0x42: {  	vm5 =	vne.s32 v3, v4;
	vm4 =	veq.s32 v5, v2  }
0x43: {  	vm6 =	vlt.u32 v3, $0x2800;
	vm4 =	vmand vm5, vm4  }
0x44: {  	vm4 =	vmand vm6, vm4  }
0x45: {  	v4 =	vnsel vm4, $0xFFFFFFFF, v3  }
0x46: {  	s31 =	sand.u32 $0x1, s0  }
0x47: {  	s0 =	simm.s32 $0x1F40;
	p1 =	seq.s32 s31, $0x1  }
0x48: {  	s0 =	simm.s32 @!p1 $0x0  }
0x49: {  	s26 =	sadd.s32 $0x7DF0, s0;
	(ifvalue) =	ssetifvalue $0xFFFFFFFF  }
0x4a: {  	v3 =	vperm.xlane v3, v1;
	[tilespmem:s26], [sflag:$0x8] =	stream.indirect_vreg.gather [hbm4b:s1+s16], $0x1, v4, vm0, $0x4038;
	v4 =	vnsel vm6, $0xFFFFFFFE, v4;
	[tilespmem:$0x11A60] =	vst v63  }
0x4b: {  	s2 =	simm.s32 $0x0;
	s22 =	sadd.s32 $0xFFFFFFF0, s28;
	[tilespmem:s28+$0x0] =	vst v4  }
.LBB2_3:
0x4c: {  	v4 =	vld.msk [tilespmem:s22+$0x0 ss:$0x1], $0xffff;
	s2 =	sadd.s32 $0x10, s2;
	v5 =	vmov v3;
	s28 =	smov.u32 s22  }
0x4d: {  	p1 =	slt.u32 s2, $0x1F30;
	_ =	sdelay $0x4  }
0x4e: {  	v3 =	vperm.xlane v4, v1;
	(xrf1) =	vunique.msk.u32 $0xffff, v4;
	_ =	sdelay $0xd  }
0x4f: {  	v6, _, _ =	vpop (xrf1)  }
0x50: {  	vm5 =	vne.s32 v4, v5;
	vm4 =	veq.s32 v6, v2  }
0x51: {  	vm6 =	vlt.u32 v4, $0x2800;
	vm4 =	vmand vm5, vm4  }
0x52: {  	vm4 =	vmand vm6, vm4  }
0x53: {  	v4 =	vnsel vm4, $0xFFFFFFFF, v4  }
.Ltmp3:
0x54: {  	v5 =	vnsel vm6, $0xFFFFFFFE, v4;
	(pc) =	sbr.rel @p1 .LBB2_3-.Ltmp3, $3  }
0x55: {  	_ =	sdelay $0x1  }
0x56: {  	s22 =	sadd.s32 $0xFFFFFFF0, s22;
	s26 =	sadd.s32 $0xFFFFFFF0, s26;
	(ifvalue) =	ssetifvalue $0xFFFFFFFF  }
0x57: {  	[tilespmem:s26], [sflag:$0x8] =	stream.indirect_vreg.gather [hbm4b:s1+s16], $0x1, v4, vm0, $0x4038;
	[tilespmem:s28+$0x0] =	vst v5  }
0x58: {  	s2 =	sshrl.u32 s25, $0x3  }
0x59: {  	s0 =	sadd.s32 $0x9D40, s0;
	s2 =	sadd.s32 s6, s2  }
0x5a: {  	[tilespmem:s0], [sflag:$0x8] =	stream.linear.gather [hbm:s2], $0x1F40, $0x38;
	[tilespmem:$0x11A60] =	vst v63  }
.LBB2_5:
0x5b: {  	p1 =	slt.u32 s24, $0x2  }
0x5c: {  	p2 =	sge.u32 @!p1 s24, s12  }
0x5d: {  	p1 =	por p1, p2  }
.Ltmp4:
0x5e: {  	_ = 	snop;
	(pc) =	sbr.rel @p1 .LBB2_9-.Ltmp4, $1  }
0x5f: {  	_ =	sdelay $0x3  }
0x60: {  	s0 =	sadd.s32 $0xFFFFFFFE, s24  }
0x61: {  	s2 =	smulhi.u32 $0xAAAAAAAB, s0;
	_ =	sdelay $0x1  }
0x62: {  	s2 =	sshrl.u32 s2, $0x1  }
0x63: {  	s2 =	smul.u32 $0x3, s2;
	_ =	sdelay $0x1  }
0x64: {  	s0 =	ssub.s32 s0, s2  }
0x65: {  	_ =	swait.ge [sflag:s8], $0x3E80;
	s0 =	smul.u32 $0x1F40, s0  }
0x66: {  	p1 =	sne.s32 s24, s11;
	[sflag:s8] =	ssyncset.done $0x0  }
0x67: {  	[sflag:s8] =	ssyncadd.s32 $0xFFFFC180;
	s2 =	sadd.s32 @!p1 $0x203F, s0  }
0x68: {  	[spmem:s13] =	stream.linear.scatter @!p1 [tilespmem:s2], [sflag:$0x1], $0x1, $0x38;
	[tilespmem:$0x11A60] =	vst v63  }
0x69: {  	s2 =	simm.s32 @!p1 $0x1  }
0x6a: {  	_ =	swait.ge @!p1 [sflag:s2], $0x1  }
0x6b: {  	s22 =	sshll.u32 s24, $0x4;
	[sflag:s2] =	ssyncset.done @!p1 $0x0  }
0x6c: {  	s25 =	sand.u32 $0x10, s22;
	[sflag:s2] =	ssyncadd.s32 @!p1 $0xFFFFFFFF  }
0x6d: {  	s2 =	sxor.u32 $0x10, s25;
	v4 =	vld [tilespmem:s25+$0x10]  }
0x6e: {  	v5 =	vld [tilespmem:s2+$0x60]  }
0x6f: {  	v3 =	vld [tilespmem:$0x80];
	_ =	sdelay $0x2  }
0x70: {  	(v2sf) =	vpush v4, $0x0  }
0x71: {  	(v2sf) =	vpush v5, $0x0  }
0x72: {  	(v2sf) =	vpush v3, $0x0;
	_ =	sdelay $0xc  }
0x73: {  	s22 =	spop (v2sf)  }
0x74: {  	s26 =	spop (v2sf)  }
0x75: {  	s28 =	spop (v2sf)  }
0x76: {  	p2 =	seq.s32 s22, s26;
	p3 =	seq.s32 s28, s22  }
0x77: {  	p3 =	por p2, p3  }
0x78: {  	s26 =	sand.u32 $0x1, s24;
	v4 =	vpsel p3, $0xFFFFFFFF, v4  }
0x79: {  	s29 =	smul.u32 $0x1F40, s26;
	[tilespmem:s25+$0x10] =	vst.msk $0x1, v4  }
0x7a: {  	v4 =	vld [tilespmem:$0x30]  }
0x7b: {  	v5 =	vld [tilespmem:s29+$0x9D40]  }
0x7c: {  	v6 =	vld [tilespmem:s25+$0x40];
	_ =	sdelay $0x3  }
0x7d: {  	vm4 =	vmmov vm1;
	v5 =	vadd.f32 v5, v4  }
0x7e: {  	vm5 =	vmmov vm2;
	vm4 =	vmmov @p2 vm2;
	s22 =	sshll.u32 s26, $0x4;
	v4 =	vadd.f32 v6, v4  }
0x7f: {  	s26 =	sor.u32 $0x11A40, s22;
	vm5 =	vmmov @p3 vm1;
	[tilespmem:s29+$0x9D40] =	vst.msk vm4, v5  }
0x80: {  	[tilespmem:s26+$0x0] =	vst.msk vm5, v4  }
0x81: {  	v4 =	vld [tilespmem:s29+$0x7DF0];
	_ =	sdelay $0x3  }
0x82: {  	v5 =	vimm.f32 $0.0e+00  }
0x83: {  	v4 =	vshift.insert v4, v5, s21  }
0x84: {  	s22 =	sor.u32 $0x40, s2  }
0x85: {  	[tilespmem:s22+$0x0] =	vst.msk $0x1, v4  }
0x86: {  	[tilespmem:s29+$0x7DFF] =	vst.msk $0x1, v5  }
0x87: {  	v4 =	vld [tilespmem:s0+$0x2030];
	_ =	sdelay $0x1  }
0x88: {  	s22 =	smulhi.u32 $0xAAAAAAAB, s20;
	s0 =	simm.s32 $0x1  }
0x89: {  	s0 =	simm.s32 @!p0 $0x0  }
0x8a: {  	s22 =	sshrl.u32 s22, $0x1;
	s0 =	smul.u32 $0x7D00, s0  }
0x8b: {  	s22 =	smul.u32 $0xFFFE8900, s22;
	v4 =	vshift.insert v4, v1, s21  }
0x8c: {  	s0 =	sshrl.u32 s0, $0x2  }
0x8d: {  	s22 =	sshra.s32 s22, $0x2;
	s30 =	sadd.s32 $0x9D40, s0;
	[tilespmem:s2+$0x10] =	vst.msk $0x1, v4  }
0x8e: {  	s22 =	sadd.s32 s22, s19;
	v6 =	vld [tilespmem:s30+$0x0]  }
0x8f: {  	v7 =	vld [tilespmem:s22+$0x0];
	_ =	sdelay $0x3  }
0x90: {  	v5 =	vadd.f32 v6, v5  }
0x91: {  	vm4 =	vne.s32 v7, $0xFFFFFFFF  }
0x92: {  	(xrf2) =	vadd.seg.scan.f32 vm4, v5;
	_ =	sdelay $0x3  }
0x93: {  	s31 =	sadd.s32 $0x5EC0, s0;
	v5 =	vperm.xlane v4, v1  }
0x94: {  	v6 =	vld [tilespmem:s31+$0x0]  }
0x95: {  	vm5 =	veq.s32 v7, v3;
	vm6 =	veq.s32 v7, v5  }
0x96: {  	vm7 =	vgt.u32 v7, $0xFFFFFFFD;
	vm6 =	vmor vm6, vm5  }
0x97: {  	vm6 =	vmor vm6, vm7  }
0x98: {  	v9 =	vld [tilespmem:$0xA0];
	v7 =	vsel vm6, $0xFFFFFFFF, v7  }
0x99: {  	v10 =	vld [tilespmem:$0x90];
	v6 =	vsel vm5, $0x0, v6;
	v8, _, _ =	vpop (xrf2)  }
0x9a: {  	v6 =	vadd.f32 v8, v6  }
0x9b: {  	s0 =	sadd.s32 $0xDBC0, s0  }
0x9c: {  	vm4 =	vmand vm4, vm3;
	[tilespmem:s0+$0x0] =	vst v6;
	(ifvalue) =	ssetifvalue $0xFFFFFFFF  }
0x9d: {  	vm6 =	veq.s32 v9, $0x1;
	[hbm4b:s1+s16] =	stream.indirect_vreg.scatter [tilespmem:s0], [sflag:$0x2], $0x1, v7, vm0, $0x4038;
	v7 =	vsel vm4, $0x0, v8;
	[tilespmem:$0x11A60] =	vst v63  }
0x9e: {  	s2 =	simm.s32 $0x0;
	s22 =	sadd.s32 $0x10, s22;
	vm4 =	vmor vm6, vm5;
	v6 =	vsel vm5, v8, v10;
	v7 =	vshift.insert v7, v0, s21  }
.LBB2_7:
0x9f: {  	v8 =	vld [tilespmem:s22+$0x0];
	s30 =	sadd.s32 $0x10, s30  }
0xa0: {  	s31 =	sadd.s32 $0x10, s31;
	v9 =	vld [tilespmem:s30+$0x0]  }
0xa1: {  	s2 =	sadd.s32 $0x10, s2;
	v10 =	vld [tilespmem:s31+$0x0]  }
0xa2: {  	p2 =	slt.u32 s2, $0x1F30;
	_ =	sdelay $0x2  }
0xa3: {  	v7 =	vadd.f32 v9, v7  }
0xa4: {  	vm5 =	vne.s32 v8, $0xFFFFFFFF  }
0xa5: {  	vm6 =	vmand vm5, vm3;
	(xrf2) =	vadd.seg.scan.f32 vm5, v7;
	_ =	sdelay $0x5  }
0xa6: {  	vm7 =	veq.s32 v8, v5;
	vm5 =	veq.s32 v8, v3  }
0xa7: {  	vm8 =	vgt.u32 v8, $0xFFFFFFFD;
	vm4 =	vmor vm4, vm5;
	vm7 =	vmor vm7, vm5  }
0xa8: {  	vm7 =	vmor vm7, vm8  }
0xa9: {  	v8 =	vsel vm7, $0xFFFFFFFF, v8  }
.Ltmp5:
0xaa: {  	v7 =	vsel vm5, $0x0, v10;
	v9, _, _ =	vpop (xrf2);
	(pc) =	sbr.rel @p2 .LBB2_7-.Ltmp5, $4  }
0xab: {  	v6 =	vsel vm5, v9, v6;
	v10 =	vadd.f32 v9, v7;
	v7 =	vsel vm6, $0x0, v9  }
0xac: {  	s0 =	sadd.s32 $0x10, s0;
	v7 =	vshift.insert v7, v0, s21  }
0xad: {  	s22 =	sadd.s32 $0x10, s22;
	[tilespmem:s0+$0x0] =	vst v10;
	(ifvalue) =	ssetifvalue $0xFFFFFFFF  }
0xae: {  	[hbm4b:s1+s16] =	stream.indirect_vreg.scatter [tilespmem:s0], [sflag:$0x2], $0x1, v8, vm0, $0x4038;
	[tilespmem:$0x11A60] =	vst v63  }
0xaf: {  	v3 =	vld [tilespmem:s29+$0xFAF0];
	_ =	sdelay $0x4  }
0xb0: {  	v3 =	vshift.insert v3, v0, s21  }
0xb1: {  	s0 =	simm.s32 $0x30  }
0xb2: {  	[tilespmem:s0+$0x0] =	vst.msk $0x1, v3  }
0xb3: {  	v3 =	vsel vm4, $0x1, v1;
	[tilespmem:$0x90] =	vst v6  }
0xb4: {  	s0 =	sadd.s32 @!p1 $0xFAFF, s29;
	[tilespmem:$0xA0] =	vst v3  }
0xb5: {  	[spmem:s14] =	stream.linear.scatter @!p1 [tilespmem:s0], [sflag:$0x1], $0x1, $0x38;
	[tilespmem:$0x11A60] =	vst v63  }
0xb6: {  	s0 =	simm.s32 @!p1 $0x1  }
0xb7: {  	v3 =	vmctz.xlane @!p1 vm4;
	_ =	swait.ge @!p1 [sflag:s0], $0x1  }
0xb8: {  	(v2sf) =	vpush @!p1 v4, $0x0  }
0xb9: {  	(v2sf) =	vpush @!p1 v3, $0x0;
	_ =	sdelay $0xd  }
0xba: {  	s2 =	spop @!p1 (v2sf)  }
0xbb: {  	s22 =	spop @!p1 (v2sf)  }
0xbc: {  	p2 =	sne.s32 @!p1 s28, s2;
	p3 =	slt.s32 @!p1 s22, $0xF  }
0xbd: {  	[sflag:s0] =	ssyncset.done @!p1 $0x0;
	p2 =	por p2, p1;
	p3 =	por !p3, p1  }
0xbe: {  	[sflag:s0] =	ssyncadd.s32 @!p1 $0xFFFFFFFF;
	v3 =	vimm.s32 @!p2 $0xFFFFFFFF;
	s22 =	simm.s32 @p3 $0xF  }
0xbf: {  	[tilespmem:$0x80] =	vst @!p2 v3;
	s2 =	sadd.s32 @!p1 $0x90, s22  }
0xc0: {  	[spmem:s10] =	stream.linear.scatter @!p1 [tilespmem:s2], [sflag:$0x1], $0x1, $0x38;
	[tilespmem:$0x11A60] =	vst v63  }
0xc1: {  	_ =	swait.ge @!p1 [sflag:s0], $0x1  }
0xc2: {  	[sflag:s0] =	ssyncset.done @!p1 $0x0  }
0xc3: {  	s2 =	simm.s32 @!p1 $0x80;
	[sflag:s0] =	ssyncadd.s32 @!p1 $0xFFFFFFFF  }
0xc4: {  	[spmem:s15] =	stream.linear.scatter @!p1 [tilespmem:s2], [sflag:$0x1], $0x1, $0x38;
	[tilespmem:$0x11A60] =	vst v63  }
0xc5: {  	_ =	swait.ge @!p1 [sflag:s0], $0x1  }
0xc6: {  	[sflag:s0] =	ssyncset.done @!p1 $0x0  }
0xc7: {  	[sflag:s0] =	ssyncadd.s32 @!p1 $0xFFFFFFFF;
	(ifvalue) =	ssetifvalue $0xFFFFFFFF;
	v3 =	vld [tilespmem:s25+$0x10];
	_ =	sdelay $0x3  }
.Ltmp6:
0xc8: {  	_ = 	snop;
	(pc) =	sbr.rel .LBB2_9-.Ltmp6, $3  }
0xc9: {  	_ =	sdelay $0x1  }
0xca: {  	(ifvalue) =	ssetifvalue $0xFFFFFFFF  }
0xcb: {  	[hbm4b:s1+s16] =	stream.indirect_vreg.scatter [tilespmem:s26], [sflag:$0x9], $0x1, v3, vm0, $0x4038;
	[tilespmem:$0x11A60] =	vst v63  }
.LBB2_10:
0xcc: {  	_ =	sfence.sel $0x180000  }
0xcd: {  	s0 =	simm.s32 $0x7;
	[bflag:$0x0] =	sbarrier.arrive $0xFFFF  }
0xce: {  	s26 =	simm.s32 $0x8;
	[sflag:s0] =	ssyncpa.u1 $0x1  }
0xcf: {  	s28 =	simm.s32 $0x9;
	[sflag:s26] =	ssyncpa.u1 $0x1  }
0xd0: {  	[sflag:s28] =	ssyncpa.u1 $0x1  }
0xd1: {  	_ =	sfence.stream.spmem  }
0xd2: {  	s29 =	simm.s32 $0x3;
	[bflag:$0x0] =	sbarrier.arrive $0xFFFF  }
0xd3: {  	s30 =	simm.s32 $0x4;
	[sflag:s29] =	ssyncpa.u1 $0x1  }
0xd4: {  	s31 =	simm.s32 $0x3C;
	s2 =	stileid.u32;
	[sflag:s30] =	ssyncpa.u1 $0x1  }
0xd5: {  	p0 =	sne.s32 s2, $0x0;
	[sflag:s31] =	ssyncpa.u1 $0x1  }
0xd6: {  	s0 =	simm.s32 @p0 $0x1;
	_ =	sfence @p0  }
0xd7: {  	[sflag:s0] =	ssyncpa.u1 @p0 $0x1;
	s0 =	simm.s32 @p0 $0x2  }
0xd8: {  	[sflag:s0] =	ssyncpa.u1 @p0 $0x1  }
0xd9: {  	_ =	strace @p0 $0x90000047  }
0xda: {  	[bflag:$0x2] =	sbarrier.arrive @p0 $0xFFFF  }
0xdb: {  	_ =	shalt @p0  }
.LBB2_11:
0xdc: {  	_ =	sfence.stream.spmem;
	s0 =	simm.s32 $0x5  }
0xdd: {  	s2 =	simm.s32 $0x80;
	s3 =	simm.s32 $0xC0;
	[sflag:s0] =	ssyncpa.u1 $0x0  }
0xde: {  	[tilespmem:s3], [sflag:$0x5] =	stream.linear.gather [spmem:s2], $0x20, $0x38;
	[tilespmem:$0x11A60] =	vst v63  }
0xdf: {  	s2 =	simm.s32 $0x0;
	s3 =	simm.s32 $0xE0  }
0xe0: {  	[tilespmem:s3], [sflag:$0x5] =	stream.linear.gather [spmem:s2], $0x20, $0x38;
	[tilespmem:$0x11A60] =	vst v63  }
.Ltmp7:
0xe1: {  	_ = 	snop;
	(pc) =	sbr.rel .LBB2_12-.Ltmp7, $4  }
0xe2: {  	_ =	swait.ge [sflag:s0], $0x40  }
0xe3: {  	[sflag:s0] =	ssyncset.done $0x0  }
0xe4: {  	s31 =	simm.s32 $0x6;
	[sflag:s0] =	ssyncadd.s32 $0xFFFFFFC0  }
0xe5: {  	s4 =	simm.s32 $0x0;
	[sflag:s31] =	ssyncpa.u1 $0x0  }
.LBB2_17:
0xe6: {  	p0 =	sgt.u32 s5, $0x27FF  }
0xe7: {  	s0 =	sshrl.u32 @!p0 s5, $0x3  }
0xe8: {  	s5 =	sand.u32 @!p0 $0x7, s5;
	s6 =	simm.s32 @!p0 $0xB0;
	s0 =	sadd.s32 @!p0 s1, s0  }
0xe9: {  	[tilespmem:s6], [sflag:$0x6] =	stream.linear.gather @!p0 [hbm4b:s0+s5], $0x1, $0x38;
	[tilespmem:$0x11A60] =	vst v63  }
0xea: {  	s0 =	simm.s32 @!p0 $0x6  }
0xeb: {  	_ =	swait.ge @!p0 [sflag:s0], $0x1  }
0xec: {  	[sflag:s0] =	ssyncset.done @!p0 $0x0  }
0xed: {  	[sflag:s0] =	ssyncadd.s32 @!p0 $0xFFFFFFFF  }
0xee: {  	v2 =	vmov @!p0 s4;
	v1 =	vld.msk @!p0 [tilespmem:$0xB0], $0x1;
	_ =	sdelay $0x3  }
0xef: {  	s0 =	simm.s32 @!p0 $0xE0  }
0xf0: {  	[tilespmem:v2+s0+$0x0], v1 =	vst.idx.ret.add.f32.msk @!p0 $0x1, v1  }
0xf1: {  	[tilespmem:s2+$0xC0] =	vst.msk $0x1, v0  }
0xf2: {  	v0 =	vld.msk [tilespmem:s4+$0xE0], $0x1;
	_ =	sdelay $0x4  }
0xf3: {  	[tilespmem:s2+$0xE0] =	vst.msk $0x1, v0;
	s2 =	sadd.s32 $0x1, s2  }
.LBB2_19:
0xf4: {  	s4 =	sadd.s32 $0x1, s4  }
0xf5: {  	p0 =	sne.s32 s4, $0x20  }
.Ltmp8:
0xf6: {  	_ = 	snop;
	(pc) =	sbr.rel @!p0 .LBB2_20-.Ltmp8, $1  }
0xf7: {  	_ =	sdelay $0x3  }
.LBB2_12:
0xf8: {  	v0 =	vld.msk [tilespmem:s4+$0xC0], $0x1;
	_ =	sdelay $0x4  }
0xf9: {  	(v2sf) =	vpush v0, $0x0;
	_ =	sdelay $0xe  }
0xfa: {  	s5 =	spop (v2sf)  }
0xfb: {  	p0 =	seq.s32 s5, $0xFFFFFFFF  }
.Ltmp9:
0xfc: {  	_ = 	snop;
	(pc) =	sbr.rel @p0 .LBB2_19-.Ltmp9, $1  }
0xfd: {  	_ =	sdelay $0x3  }
0xfe: {  	p0 =	slt.s32 s2, $0x1  }
.Ltmp10:
0xff: {  	_ = 	snop;
	(pc) =	sbr.rel @p0 .LBB2_17-.Ltmp10, $1  }
0x100: {  	_ =	sdelay $0x3  }
0x101: {  	s0 =	simm.s32 $0xC0;
	p0 =	por $0x0, $0x0  }
0x102: {  	v1 =	vld.msk @!p0 [tilespmem:s0+$0x0], $0x1;
	_ =	sdelay $0x4  }
0x103: {  	(v2sf) =	vpush @!p0 v1, $0x0;
	_ =	sdelay $0xd  }
0x104: {  	p2 =	sne.s32 s2, $0x1  }
.Ltmp11:
0x105: {  	s6 =	spop @!p0 (v2sf);
	(pc) =	sbr.rel @!p2 .LBB2_16-.Ltmp11, $4  }
0x106: {  	p1 =	seq.s32 @!p0 s5, s6  }
0x107: {  	s6 =	simm.s32 $0x0;
	p1 =	por !p1, p0  }
0x108: {  	s8 =	simm.s32 $0xFFFFFFFF;
	s6 =	simm.s32 @p1 $0xFFFFFFFF  }
0x109: {  	s7 =	simm.s32 $0x1;
	s6 =	smov.u32 @p0 s8  }
.LBB2_15:
0x10a: {  	s8 =	smov.u32 s6;
	p0 =	sne.s32 s6, $0xFFFFFFFF  }
0x10b: {  	s0 =	sadd.s32 $0x1, s0;
	s6 =	smov.u32 s7;
	s7 =	sadd.s32 $0x1, s7  }
0x10c: {  	p1 =	sne.s32 s2, s7;
	v1 =	vld.msk @!p0 [tilespmem:s0+$0x0], $0x1;
	_ =	sdelay $0x4  }
0x10d: {  	(v2sf) =	vpush @!p0 v1, $0x0;
	_ =	sdelay $0xe  }
.Ltmp12:
0x10e: {  	s9 =	spop @!p0 (v2sf);
	(pc) =	sbr.rel @p1 .LBB2_15-.Ltmp12, $4  }
0x10f: {  	p2 =	seq.s32 @!p0 s5, s9  }
0x110: {  	p2 =	por !p2, p0  }
0x111: {  	s6 =	simm.s32 @p2 $0xFFFFFFFF  }
0x112: {  	s6 =	smov.u32 @p0 s8  }
.LBB2_16:
0x113: {  	p0 =	sne.s32 s6, $0xFFFFFFFF  }
.Ltmp13:
0x114: {  	_ = 	snop;
	(pc) =	sbr.rel @!p0 .LBB2_17-.Ltmp13, $1  }
0x115: {  	_ =	sdelay $0x3  }
0x116: {  	v0 =	vld.msk [tilespmem:s4+$0xE0], $0x1;
	v1 =	vmov s6  }
.Ltmp14:
0x117: {  	_ = 	snop;
	(pc) =	sbr.rel .LBB2_19-.Ltmp14, $2  }
0x118: {  	_ =	sdelay $0x2  }
0x119: {  	[tilespmem:v1+s3+$0x0], v0 =	vst.idx.ret.add.f32.msk $0x1, v0  }
.LBB2_20:
0x11a: {  	p0 =	slt.s32 s2, $0x1  }
.Ltmp15:
0x11b: {  	_ = 	snop;
	(pc) =	sbr.rel @p0 .LBB2_24-.Ltmp15, $3  }
0x11c: {  	_ =	sdelay $0x1  }
0x11d: {  	s0 =	simm.s32 $0x6  }
0x11e: {  	s3 =	simm.s32 $0x0;
	[sflag:s0] =	ssyncpa.u1 $0x1  }
0x11f: {  	s0 =	simm.s32 $0xC0  }
0x120: {  	v0 =	vld.msk [tilespmem:s0+$0x0], $0x1;
	_ =	sdelay $0x4  }
0x121: {  	(v2sf) =	vpush v0, $0x0;
	_ =	sdelay $0xe  }
0x122: {  	s2 =	sadd.s32 $0xFFFFFFFF, s2;
	s4 =	spop (v2sf)  }
0x123: {  	p1 =	sne.s32 s2, $0x0;
	p0 =	sgt.u32 s4, $0x27FF  }
.Ltmp16:
0x124: {  	s5 =	sshrl.u32 @!p0 s4, $0x3;
	(pc) =	sbr.rel @!p1 .LBB2_23-.Ltmp16, $4  }
0x125: {  	s0 =	simm.s32 $0xE0;
	s4 =	sand.u32 @!p0 $0x7, s4;
	s5 =	sadd.s32 @!p0 s1, s5  }
0x126: {  	[hbm4b:s5+s4] =	stream.linear.scatter @!p0 [tilespmem:s0], [sflag:$0x5], $0x1, $0x38;
	[tilespmem:$0x11A60] =	vst v63  }
0x127: {  	s5 =	simm.s32 $0x0  }
0x128: {  	s4 =	simm.s32 $0xC1;
	s5 =	simm.s32 @!p0 $0x4  }
.LBB2_22:
0x129: {  	v0 =	vld.msk [tilespmem:s4+$0x0], $0x1;
	s2 =	sadd.s32 $0xFFFFFFFF, s2;
	s3 =	sadd.s32 s3, s5  }
0x12a: {  	p0 =	sne.s32 s2, $0x0;
	_ =	sdelay $0x3  }
0x12b: {  	(v2sf) =	vpush v0, $0x0;
	_ =	sdelay $0xe  }
.Ltmp17:
0x12c: {  	s6 =	spop (v2sf);
	(pc) =	sbr.rel @p0 .LBB2_22-.Ltmp17, $4  }
0x12d: {  	s5 =	simm.s32 $0x0;
	p1 =	sgt.u32 s6, $0x27FF  }
0x12e: {  	s0 =	sadd.s32 $0x1, s0;
	s5 =	simm.s32 @!p1 $0x4;
	s7 =	sshrl.u32 @!p1 s6, $0x3  }
0x12f: {  	s4 =	sadd.s32 $0x1, s4;
	s6 =	sand.u32 @!p1 $0x7, s6;
	s7 =	sadd.s32 @!p1 s1, s7  }
0x130: {  	[hbm4b:s7+s6] =	stream.linear.scatter @!p1 [tilespmem:s0], [sflag:$0x5], $0x1, $0x38;
	[tilespmem:$0x11A60] =	vst v63  }
.LBB2_23:
0x131: {  	s0 =	sadd.s32 s3, s5  }
0x132: {  	s3 =	sshrl.u32 s0, $0x2  }
.LBB2_24:
0x133: {  	s0 =	simm.s32 $0x5  }
0x134: {  	_ =	swait.ge [sflag:s0], s3  }
0x135: {  	s1 =	ssub.s32 $0x0, s3;
	[sflag:s0] =	ssyncset.done $0x0  }
0x136: {  	[sflag:s0] =	ssyncadd.s32 s1  }
0x137: {  	[sflag:s0] =	ssyncpa.u1 $0x1  }
0x138: {  	s29 =	simm.s32 $0x1;
	_ =	sfence  }
0x139: {  	s30 =	simm.s32 $0x2;
	[sflag:s29] =	ssyncpa.u1 $0x1  }
0x13a: {  	[sflag:s30] =	ssyncpa.u1 $0x1  }
0x13b: {  	_ =	strace $0x90000047  }
0x13c: {  	[bflag:$0x2] =	sbarrier.arrive $0xFFFF  }
0x13d: {  	s31 =	rddreg [dreg:$0x1]  }
0x13e: {  	s0 =	sadd.s32 $0x100000, s31  }
0x13f: {  	[sflag:s0] =	ssyncadd.tile.s32 $0x1;
	_ =	shalt  }
.Lfunc_end2:
_tile_overlayer_lowered:
.L_overlay_start_2:
0x140: {  	(tag) =	ssettag $0x2  }
0x141: {  	s0 =	rddreg [dreg:$0x0];
	s2 =	stileid.u32  }
0x142: {  	s1 =	rddreg [dreg:$0x1];
	p0 =	sne.s32 s2, $0x0  }
0x143: {  	s3 =	rddreg [dreg:$0x2];
	[bflag:$0x3] =	sbarrier.arrive $0xFFFF;
	s2 =	simm.s32 @!p0 $0x1C01  }
0x144: {  	[timem:s3], [sflag:s2] =	dma.local @!p0 [hbm:s0], s1  }
0x145: {  	s0 =	simm.s32 @!p0 $0x1  }
0x146: {  	_ =	swait.ge @!p0 [sflag:s0], s1  }
0x147: {  	s1 =	ssub.s32 @!p0 $0x0, s1;
	[sflag:s0] =	ssyncset.done @!p0 $0x0  }
0x148: {  	[sflag:s0] =	ssyncadd.s32 @!p0 s1  }
0x149: {  	[bflag:$0x3] =	sbarrier.arrive $0xFFFF  }
0x14a: {  	_ =	shalt  }

</sc_bundles>
